<compile_context>
chip_gen: v7x
topology: tpu7x:2x2x1
jax: 0.10.2.dev20260603
libtpu: 0.0.44.dev20260713+nightly
codegen_flags: <defaults>
</compile_context>

<pallas_src>
import functools

import jax
import jax.numpy as jnp
from jax import lax
from jax.experimental import pallas as pl
from jax.experimental.pallas import tpu as pltpu
from jax.experimental.pallas import tpu_sc as plsc

_NC = 2
_NS = 16
_NW = _NC * _NS
_CHUNK = 128
_IB = 5
_NSLOT = 3


def _make_gather(n_chunks, n_vocab, d, n_rounds):
    mesh = plsc.VectorSubcoreMesh(core_axis_name="c", subcore_axis_name="s")
    assert n_rounds % _IB == 0 and n_rounds >= 2 * _IB
    assert (n_rounds - 2) % _NSLOT == 0
    n_blocks = n_rounds // _IB
    v_step = (n_vocab // _NS) // 8 * 8
    v_size = n_vocab - v_step * (_NS - 1)
    assert v_size >= 8 and v_step * (_NS - 1) + v_size <= n_vocab

    @functools.partial(
        pl.kernel,
        mesh=mesh,
        out_type=jax.ShapeDtypeStruct((n_chunks, _CHUNK, d), jnp.float32),
        scratch_types=[
            pltpu.VMEM_SHARED((n_vocab, d), jnp.float32),
            pltpu.VMEM((2 * _IB, 1, _CHUNK), jnp.int32),
            pltpu.VMEM((_NSLOT, _CHUNK, d), jnp.float32),
            pltpu.SemaphoreType.DMA,
            pltpu.SemaphoreType.DMA,
            pltpu.SemaphoreType.DMA,
            pltpu.SemaphoreType.DMA,
            pltpu.SemaphoreType.DMA,
        ],
    )
    def k(idx_hbm, table_hbm, out_hbm, tab_sh, idx_v, rows_v,
          gsem, ssem0, ssem1, ssem2, isem):
        sid = lax.axis_index("s")
        wid = sid * _NC + lax.axis_index("c")
        pltpu.sync_copy(table_hbm.at[pl.ds(sid * v_step, v_size)],
                        tab_sh.at[pl.ds(sid * v_step, v_size)])
        ibase = wid * n_rounds
        cbase = wid * n_rounds
        ssems = (ssem0, ssem1, ssem2)

        def i_copy(blk):
            return pltpu.make_async_copy(
                idx_hbm.at[pl.ds(ibase + blk * _IB, _IB)],
                idx_v.at[pl.ds((blk % 2) * _IB, _IB)], isem)

        def g_copy(r, s):
            return pltpu.make_async_copy(
                tab_sh.at[idx_v.at[r % (2 * _IB), 0]], rows_v.at[s], gsem)

        def s_copy(r, s):
            return pltpu.make_async_copy(
                rows_v.at[s], out_hbm.at[cbase + r], ssems[s])

        pltpu.sync_copy(idx_hbm.at[pl.ds(ibase, _IB)],
                        idx_v.at[pl.ds(0, _IB)])
        i_copy(1).start()
        plsc.subcore_barrier()

        def round_body(r):
            blk = r // _IB

            @pl.when(jnp.logical_and(r % _IB == 0,
                                     jnp.logical_and(r > 0,
                                                     blk < n_blocks - 1)))
            def _():
                i_copy(blk + 1).start()

            @pl.when(jnp.logical_and(r % _IB == _IB - 2,
                                     r + 2 < n_rounds))
            def _():
                i_copy((r + 2) // _IB).wait()

        g_copy(0, 0).start()
        g_copy(1, 1).start()
        g_copy(0, 0).wait()
        s_copy(0, 0).start()
        g_copy(2, 2).start()

        def body(i, carry):
            for u in range(_NSLOT):
                r = 1 + _NSLOT * i + u
                s = (1 + u) % _NSLOT
                round_body(r)
                g_copy(r, s).wait()
                s_copy(r, s).start()

                @pl.when(r + 2 < n_rounds)
                def _():
                    s_copy(r - 1, u).wait()
                    g_copy(r + 2, u).start()
            return carry

        lax.fori_loop(0, (n_rounds - 2) // _NSLOT, body, 0)
        rl = n_rounds - 1
        g_copy(rl, rl % _NSLOT).wait()
        s_copy(rl, rl % _NSLOT).start()
        for r in range(n_rounds - 3, n_rounds):
            s_copy(r, r % _NSLOT).wait()

    return k


def kernel(x, table):
    b, s = x.shape
    n_vocab, d = table.shape
    n = b * s
    n_chunks = n // _CHUNK
    n_rounds = n_chunks // _NW
    idx = x.reshape(n_chunks, 1, _CHUNK).astype(jnp.int32)
    out = _make_gather(n_chunks, n_vocab, d, n_rounds)(idx, table)
    return out.reshape(b, s, d)

# --- scband reference (transcript-rebuilt; emitter-appended) ---
"""Pipeline reference for scband-encoder-9895604650611 (READ-ONLY COPY).

The authoritative reference and input builder live on the scoring server;
editing this copy changes nothing except your own understanding.
"""

import jax, jax.numpy as jnp
import numpy as np


def setup_inputs(seed: int = 0) -> dict:
    key = jax.random.key(seed)
    k1, k2 = jax.random.split(key)
    x = jax.random.randint(k1, (4096, 200), 0, 10000, dtype=jnp.int64 if jax.config.jax_enable_x64 else jnp.int32)
    table = jax.random.normal(k2, (10000, 128), dtype=jnp.float32)
    return {"x": x, "table": table}


def reference(x, table):
    # nn.Embedding forward: row gather from the embedding table
    return jnp.take(table, x, axis=0)

if __name__ == "__main__":
    import jax
    _d = setup_inputs()
    print(jax.jit(kernel)(*tuple(_d.values())))

</pallas_src>

<mosaic_0001>
#map = affine_map<(d0, d1) -> (0, 0, 0)>
#map1 = affine_map<(d0, d1) -> (0, 0)>
module attributes {stable_mosaic.version = 14 : i64} {
  func.func @k(%arg0: i32, %arg1: i32, %arg2: memref<6400x1x128xi32, #tpu.memory_space<hbm>>, %arg3: memref<10000x128xf32, #tpu.memory_space<hbm>>, %arg4: memref<6400x128x128xf32, #tpu.memory_space<hbm>>, %arg5: memref<10000x128xf32, #tpu.memory_space<vmem_shared>>, %arg6: memref<10x1x128xi32, #tpu.memory_space<vmem>>, %arg7: memref<3x128x128xf32, #tpu.memory_space<vmem>>, %arg8: memref<!tpu.dma_semaphore, #tpu.memory_space<semaphore_mem>>, %arg9: memref<!tpu.dma_semaphore, #tpu.memory_space<semaphore_mem>>, %arg10: memref<!tpu.dma_semaphore, #tpu.memory_space<semaphore_mem>>, %arg11: memref<!tpu.dma_semaphore, #tpu.memory_space<semaphore_mem>>, %arg12: memref<!tpu.dma_semaphore, #tpu.memory_space<semaphore_mem>>) attributes {dimension_semantics = [#tpu.dimension_semantics<core_parallel>, #tpu.dimension_semantics<subcore_parallel>], iteration_bounds = array<i64: 2, 16>, scalar_prefetch = 0 : i64, scratch_operands = 8 : i64, tpu.core_type = #tpu.core_type<sc_vector_subcore>, window_params = [{transform_indices = #map}, {transform_indices = #map1}, {transform_indices = #map}]} {
    %mul3A = arith.constant 2 : i32
    %mul3A_0 = arith.muli %arg1, %mul3A : i32
    %add3A = arith.addi %mul3A_0, %arg0 : i32
    %mul3A_1 = arith.constant 624 : i32
    %mul3A_2 = arith.muli %arg1, %mul3A_1 : i32
    %mul3A_3 = arith.constant 624 : i32
    %mul3A_4 = arith.muli %arg1, %mul3A_3 : i32
    "tpu.region"() ({
      %run_scoped3A = tpu.sem_alloc : memref<!tpu.dma_semaphore, #tpu.memory_space<semaphore_mem>>
      %dma_start3A_188 = arith.constant 0 : i32
      %dma_start3A_189 = tpu.memref_slice %arg5[%mul3A_4, %dma_start3A_188] : memref<10000x128xf32, #tpu.memory_space<vmem_shared>> -> memref<640x128xf32, #tpu.memory_space<vmem_shared>>
      %dma_start3A_190 = arith.constant 0 : i32
      %dma_start3A_191 = tpu.memref_slice %arg3[%mul3A_2, %dma_start3A_190] : memref<10000x128xf32, #tpu.memory_space<hbm>> -> memref<640x128xf32, #tpu.memory_space<hbm>>
      tpu.enqueue_dma source(%dma_start3A_191 : memref<640x128xf32, #tpu.memory_space<hbm>>) target(%dma_start3A_189 : memref<640x128xf32, #tpu.memory_space<vmem_shared>>) target_semaphore(%run_scoped3A : memref<!tpu.dma_semaphore, #tpu.memory_space<semaphore_mem>>)
      %dma_wait3A_192 = arith.constant 0 : i32
      %dma_wait3A_193 = tpu.memref_slice %arg5[%mul3A_4, %dma_wait3A_192] : memref<10000x128xf32, #tpu.memory_space<vmem_shared>> -> memref<640x128xf32, #tpu.memory_space<vmem_shared>>
      %dma_wait3A_194 = arith.constant 0 : i32
      %dma_wait3A_195 = tpu.memref_slice %arg3[%mul3A_2, %dma_wait3A_194] : memref<10000x128xf32, #tpu.memory_space<hbm>> -> memref<640x128xf32, #tpu.memory_space<hbm>>
      tpu.wait_dma2 semaphore(%run_scoped3A : memref<!tpu.dma_semaphore, #tpu.memory_space<semaphore_mem>>) src(%dma_wait3A_195 : memref<640x128xf32, #tpu.memory_space<hbm>>) dst(%dma_wait3A_193 : memref<640x128xf32, #tpu.memory_space<vmem_shared>>)
      tpu.yield
    }) : () -> ()
    %mul3A_5 = arith.constant 200 : i32
    %mul3A_6 = arith.muli %add3A, %mul3A_5 : i32
    %mul3A_7 = arith.constant 200 : i32
    %mul3A_8 = arith.muli %add3A, %mul3A_7 : i32
    "tpu.region"() ({
      %run_scoped3A = tpu.sem_alloc : memref<!tpu.dma_semaphore, #tpu.memory_space<semaphore_mem>>
      %dma_start3A_188 = arith.constant 0 : i32
      %dma_start3A_189 = arith.constant 0 : i32
      %dma_start3A_190 = arith.constant 0 : i32
      %dma_start3A_191 = tpu.memref_slice %arg6[%dma_start3A_188, %dma_start3A_189, %dma_start3A_190] : memref<10x1x128xi32, #tpu.memory_space<vmem>> -> memref<5x1x128xi32, #tpu.memory_space<vmem>>
      %dma_start3A_192 = arith.constant 0 : i32
      %dma_start3A_193 = arith.constant 0 : i32
      %dma_start3A_194 = tpu.memref_slice %arg2[%mul3A_6, %dma_start3A_192, %dma_start3A_193] : memref<6400x1x128xi32, #tpu.memory_space<hbm>> -> memref<5x1x128xi32, #tpu.memory_space<hbm>>
      %dma_start3A_195 = arith.constant 0 : i32
      %dma_start3A_196 = arith.constant 0 : i32
      %dma_start3A_197 = arith.constant 0 : i32
      %dma_start3A_198 = tpu.memref_slice %arg6[%dma_start3A_195, %dma_start3A_196, %dma_start3A_197] : memref<10x1x128xi32, #tpu.memory_space<vmem>> -> memref<5x1x128xi32, #tpu.memory_space<vmem>>
      %dma_start3A_199 = arith.constant 0 : i32
      %dma_start3A_200 = arith.constant 0 : i32
      %dma_start3A_201 = tpu.memref_slice %arg2[%mul3A_6, %dma_start3A_199, %dma_start3A_200] : memref<6400x1x128xi32, #tpu.memory_space<hbm>> -> memref<5x1x128xi32, #tpu.memory_space<hbm>>
      tpu.enqueue_dma source(%dma_start3A_201 : memref<5x1x128xi32, #tpu.memory_space<hbm>>) target(%dma_start3A_198 : memref<5x1x128xi32, #tpu.memory_space<vmem>>) target_semaphore(%run_scoped3A : memref<!tpu.dma_semaphore, #tpu.memory_space<semaphore_mem>>)
      %dma_wait3A_202 = arith.constant 0 : i32
      %dma_wait3A_203 = arith.constant 0 : i32
      %dma_wait3A_204 = arith.constant 0 : i32
      %dma_wait3A_205 = tpu.memref_slice %arg6[%dma_wait3A_202, %dma_wait3A_203, %dma_wait3A_204] : memref<10x1x128xi32, #tpu.memory_space<vmem>> -> memref<5x1x128xi32, #tpu.memory_space<vmem>>
      %dma_wait3A_206 = arith.constant 0 : i32
      %dma_wait3A_207 = arith.constant 0 : i32
      %dma_wait3A_208 = tpu.memref_slice %arg2[%mul3A_6, %dma_wait3A_206, %dma_wait3A_207] : memref<6400x1x128xi32, #tpu.memory_space<hbm>> -> memref<5x1x128xi32, #tpu.memory_space<hbm>>
      %dma_wait3A_209 = arith.constant 0 : i32
      %dma_wait3A_210 = arith.constant 0 : i32
      %dma_wait3A_211 = arith.constant 0 : i32
      %dma_wait3A_212 = tpu.memref_slice %arg6[%dma_wait3A_209, %dma_wait3A_210, %dma_wait3A_211] : memref<10x1x128xi32, #tpu.memory_space<vmem>> -> memref<5x1x128xi32, #tpu.memory_space<vmem>>
      %dma_wait3A_213 = arith.constant 0 : i32
      %dma_wait3A_214 = arith.constant 0 : i32
      %dma_wait3A_215 = tpu.memref_slice %arg2[%mul3A_6, %dma_wait3A_213, %dma_wait3A_214] : memref<6400x1x128xi32, #tpu.memory_space<hbm>> -> memref<5x1x128xi32, #tpu.memory_space<hbm>>
      tpu.wait_dma2 semaphore(%run_scoped3A : memref<!tpu.dma_semaphore, #tpu.memory_space<semaphore_mem>>) src(%dma_wait3A_215 : memref<5x1x128xi32, #tpu.memory_space<hbm>>) dst(%dma_wait3A_212 : memref<5x1x128xi32, #tpu.memory_space<vmem>>)
      tpu.yield
    }) : () -> ()
    %add3A_9 = arith.constant 5 : i32
    %add3A_10 = arith.addi %mul3A_6, %add3A_9 : i32
    %dma_start3A = arith.constant 5 : i32
    %dma_start3A_11 = arith.constant 0 : i32
    %dma_start3A_12 = arith.constant 0 : i32
    %dma_start3A_13 = tpu.memref_slice %arg6[%dma_start3A, %dma_start3A_11, %dma_start3A_12] : memref<10x1x128xi32, #tpu.memory_space<vmem>> -> memref<5x1x128xi32, #tpu.memory_space<vmem>>
    %dma_start3A_14 = arith.constant 0 : i32
    %dma_start3A_15 = arith.constant 0 : i32
    %dma_start3A_16 = tpu.memref_slice %arg2[%add3A_10, %dma_start3A_14, %dma_start3A_15] : memref<6400x1x128xi32, #tpu.memory_space<hbm>> -> memref<5x1x128xi32, #tpu.memory_space<hbm>>
    %dma_start3A_17 = arith.constant 5 : i32
    %dma_start3A_18 = arith.constant 0 : i32
    %dma_start3A_19 = arith.constant 0 : i32
    %dma_start3A_20 = tpu.memref_slice %arg6[%dma_start3A_17, %dma_start3A_18, %dma_start3A_19] : memref<10x1x128xi32, #tpu.memory_space<vmem>> -> memref<5x1x128xi32, #tpu.memory_space<vmem>>
    %dma_start3A_21 = arith.constant 0 : i32
    %dma_start3A_22 = arith.constant 0 : i32
    %dma_start3A_23 = tpu.memref_slice %arg2[%add3A_10, %dma_start3A_21, %dma_start3A_22] : memref<6400x1x128xi32, #tpu.memory_space<hbm>> -> memref<5x1x128xi32, #tpu.memory_space<hbm>>
    tpu.enqueue_dma source(%dma_start3A_23 : memref<5x1x128xi32, #tpu.memory_space<hbm>>) target(%dma_start3A_20 : memref<5x1x128xi32, #tpu.memory_space<vmem>>) target_semaphore(%arg12 : memref<!tpu.dma_semaphore, #tpu.memory_space<semaphore_mem>>)
    %barrier3A = arith.constant 0 : index
    tpu.barrier barrier_id(%barrier3A)
    %dma_start3A_24 = arith.constant 0 : i32
    %dma_start3A_25 = arith.constant 0 : i32
    %dma_start3A_26 = arith.constant 0 : i32
    %dma_start3A_27 = arith.constant 0 : i32
    %dma_start3A_28 = arith.constant 0 : i32
    %dma_start3A_29 = tpu.memref_slice %arg7[%dma_start3A_26, %dma_start3A_27, %dma_start3A_28] : memref<3x128x128xf32, #tpu.memory_space<vmem>> -> memref<1x128x128xf32, #tpu.memory_space<vmem>>
    %dma_start3A_30 = tpu.memref_squeeze %dma_start3A_29 : memref<1x128x128xf32, #tpu.memory_space<vmem>> -> memref<128x128xf32, #tpu.memory_space<vmem>>
    %dma_start3A_31 = arith.constant 0 : i32
    %dma_start3A_32 = tpu.memref_slice %arg6[%dma_start3A_24, %dma_start3A_25, %dma_start3A_31] : memref<10x1x128xi32, #tpu.memory_space<vmem>> -> memref<1x1x128xi32, #tpu.memory_space<vmem>>
    %dma_start3A_33 = tpu.memref_squeeze %dma_start3A_32 : memref<1x1x128xi32, #tpu.memory_space<vmem>> -> memref<128xi32, #tpu.memory_space<vmem>>
    %dma_start3A_34 = arith.constant 0 : i32
    %dma_start3A_35 = arith.constant 0 : i32
    %dma_start3A_36 = tpu.memref_slice %arg5[%dma_start3A_34, %dma_start3A_35] : memref<10000x128xf32, #tpu.memory_space<vmem_shared>> -> memref<10000x128xf32, #tpu.memory_space<vmem_shared>>
    tpu.enqueue_indirect_dma source(%dma_start3A_36 : memref<10000x128xf32, #tpu.memory_space<vmem_shared>>) target(%dma_start3A_30 : memref<128x128xf32, #tpu.memory_space<vmem>>) offsets(%dma_start3A_33 : memref<128xi32, #tpu.memory_space<vmem>>) semaphore(%arg8 : memref<!tpu.dma_semaphore, #tpu.memory_space<semaphore_mem>>)
    %dma_start3A_37 = arith.constant 1 : i32
    %dma_start3A_38 = arith.constant 0 : i32
    %dma_start3A_39 = arith.constant 1 : i32
    %dma_start3A_40 = arith.constant 0 : i32
    %dma_start3A_41 = arith.constant 0 : i32
    %dma_start3A_42 = tpu.memref_slice %arg7[%dma_start3A_39, %dma_start3A_40, %dma_start3A_41] : memref<3x128x128xf32, #tpu.memory_space<vmem>> -> memref<1x128x128xf32, #tpu.memory_space<vmem>>
    %dma_start3A_43 = tpu.memref_squeeze %dma_start3A_42 : memref<1x128x128xf32, #tpu.memory_space<vmem>> -> memref<128x128xf32, #tpu.memory_space<vmem>>
    %dma_start3A_44 = arith.constant 0 : i32
    %dma_start3A_45 = tpu.memref_slice %arg6[%dma_start3A_37, %dma_start3A_38, %dma_start3A_44] : memref<10x1x128xi32, #tpu.memory_space<vmem>> -> memref<1x1x128xi32, #tpu.memory_space<vmem>>
    %dma_start3A_46 = tpu.memref_squeeze %dma_start3A_45 : memref<1x1x128xi32, #tpu.memory_space<vmem>> -> memref<128xi32, #tpu.memory_space<vmem>>
    %dma_start3A_47 = arith.constant 0 : i32
    %dma_start3A_48 = arith.constant 0 : i32
    %dma_start3A_49 = tpu.memref_slice %arg5[%dma_start3A_47, %dma_start3A_48] : memref<10000x128xf32, #tpu.memory_space<vmem_shared>> -> memref<10000x128xf32, #tpu.memory_space<vmem_shared>>
    tpu.enqueue_indirect_dma source(%dma_start3A_49 : memref<10000x128xf32, #tpu.memory_space<vmem_shared>>) target(%dma_start3A_43 : memref<128x128xf32, #tpu.memory_space<vmem>>) offsets(%dma_start3A_46 : memref<128xi32, #tpu.memory_space<vmem>>) semaphore(%arg8 : memref<!tpu.dma_semaphore, #tpu.memory_space<semaphore_mem>>)
    %dma_wait3A = arith.constant 0 : i32
    %dma_wait3A_50 = arith.constant 0 : i32
    %dma_wait3A_51 = arith.constant 0 : i32
    %dma_wait3A_52 = arith.constant 0 : i32
    %dma_wait3A_53 = arith.constant 0 : i32
    %dma_wait3A_54 = tpu.memref_slice %arg7[%dma_wait3A_51, %dma_wait3A_52, %dma_wait3A_53] : memref<3x128x128xf32, #tpu.memory_space<vmem>> -> memref<1x128x128xf32, #tpu.memory_space<vmem>>
    %dma_wait3A_55 = tpu.memref_squeeze %dma_wait3A_54 : memref<1x128x128xf32, #tpu.memory_space<vmem>> -> memref<128x128xf32, #tpu.memory_space<vmem>>
    %dma_wait3A_56 = arith.constant 0 : i32
    %dma_wait3A_57 = tpu.memref_slice %arg6[%dma_wait3A, %dma_wait3A_50, %dma_wait3A_56] : memref<10x1x128xi32, #tpu.memory_space<vmem>> -> memref<1x1x128xi32, #tpu.memory_space<vmem>>
    %dma_wait3A_58 = tpu.memref_squeeze %dma_wait3A_57 : memref<1x1x128xi32, #tpu.memory_space<vmem>> -> memref<128xi32, #tpu.memory_space<vmem>>
    %dma_wait3A_59 = arith.constant 0 : i32
    %dma_wait3A_60 = arith.constant 0 : i32
    %dma_wait3A_61 = tpu.memref_slice %arg5[%dma_wait3A_59, %dma_wait3A_60] : memref<10000x128xf32, #tpu.memory_space<vmem_shared>> -> memref<10000x128xf32, #tpu.memory_space<vmem_shared>>
    tpu.wait_indirect_dma semaphore(%arg8 : memref<!tpu.dma_semaphore, #tpu.memory_space<semaphore_mem>>) src(%dma_wait3A_61 : memref<10000x128xf32, #tpu.memory_space<vmem_shared>>) dst(%dma_wait3A_55 : memref<128x128xf32, #tpu.memory_space<vmem>>)
    %add3A_62 = arith.constant 0 : i32
    %add3A_63 = arith.addi %mul3A_8, %add3A_62 : i32
    %dma_start3A_64 = arith.constant 0 : i32
    %dma_start3A_65 = arith.constant 0 : i32
    %dma_start3A_66 = arith.constant 0 : i32
    %dma_start3A_67 = tpu.memref_slice %arg7[%dma_start3A_64, %dma_start3A_65, %dma_start3A_66] : memref<3x128x128xf32, #tpu.memory_space<vmem>> -> memref<1x128x128xf32, #tpu.memory_space<vmem>>
    %dma_start3A_68 = tpu.memref_squeeze %dma_start3A_67 : memref<1x128x128xf32, #tpu.memory_space<vmem>> -> memref<128x128xf32, #tpu.memory_space<vmem>>
    %dma_start3A_69 = arith.constant 0 : i32
    %dma_start3A_70 = arith.constant 0 : i32
    %dma_start3A_71 = tpu.memref_slice %arg4[%add3A_63, %dma_start3A_69, %dma_start3A_70] : memref<6400x128x128xf32, #tpu.memory_space<hbm>> -> memref<1x128x128xf32, #tpu.memory_space<hbm>>
    %dma_start3A_72 = tpu.memref_squeeze %dma_start3A_71 : memref<1x128x128xf32, #tpu.memory_space<hbm>> -> memref<128x128xf32, #tpu.memory_space<hbm>>
    %dma_start3A_73 = arith.constant 0 : i32
    %dma_start3A_74 = arith.constant 0 : i32
    %dma_start3A_75 = tpu.memref_slice %arg4[%add3A_63, %dma_start3A_73, %dma_start3A_74] : memref<6400x128x128xf32, #tpu.memory_space<hbm>> -> memref<1x128x128xf32, #tpu.memory_space<hbm>>
    %dma_start3A_76 = tpu.memref_squeeze %dma_start3A_75 : memref<1x128x128xf32, #tpu.memory_space<hbm>> -> memref<128x128xf32, #tpu.memory_space<hbm>>
    %dma_start3A_77 = arith.constant 0 : i32
    %dma_start3A_78 = arith.constant 0 : i32
    %dma_start3A_79 = tpu.memref_slice %arg7[%dma_start3A_64, %dma_start3A_77, %dma_start3A_78] : memref<3x128x128xf32, #tpu.memory_space<vmem>> -> memref<1x128x128xf32, #tpu.memory_space<vmem>>
    %dma_start3A_80 = tpu.memref_squeeze %dma_start3A_79 : memref<1x128x128xf32, #tpu.memory_space<vmem>> -> memref<128x128xf32, #tpu.memory_space<vmem>>
    tpu.enqueue_dma source(%dma_start3A_80 : memref<128x128xf32, #tpu.memory_space<vmem>>) target(%dma_start3A_76 : memref<128x128xf32, #tpu.memory_space<hbm>>) target_semaphore(%arg9 : memref<!tpu.dma_semaphore, #tpu.memory_space<semaphore_mem>>)
    %dma_start3A_81 = arith.constant 2 : i32
    %dma_start3A_82 = arith.constant 0 : i32
    %dma_start3A_83 = arith.constant 2 : i32
    %dma_start3A_84 = arith.constant 0 : i32
    %dma_start3A_85 = arith.constant 0 : i32
    %dma_start3A_86 = tpu.memref_slice %arg7[%dma_start3A_83, %dma_start3A_84, %dma_start3A_85] : memref<3x128x128xf32, #tpu.memory_space<vmem>> -> memref<1x128x128xf32, #tpu.memory_space<vmem>>
    %dma_start3A_87 = tpu.memref_squeeze %dma_start3A_86 : memref<1x128x128xf32, #tpu.memory_space<vmem>> -> memref<128x128xf32, #tpu.memory_space<vmem>>
    %dma_start3A_88 = arith.constant 0 : i32
    %dma_start3A_89 = tpu.memref_slice %arg6[%dma_start3A_81, %dma_start3A_82, %dma_start3A_88] : memref<10x1x128xi32, #tpu.memory_space<vmem>> -> memref<1x1x128xi32, #tpu.memory_space<vmem>>
    %dma_start3A_90 = tpu.memref_squeeze %dma_start3A_89 : memref<1x1x128xi32, #tpu.memory_space<vmem>> -> memref<128xi32, #tpu.memory_space<vmem>>
    %dma_start3A_91 = arith.constant 0 : i32
    %dma_start3A_92 = arith.constant 0 : i32
    %dma_start3A_93 = tpu.memref_slice %arg5[%dma_start3A_91, %dma_start3A_92] : memref<10000x128xf32, #tpu.memory_space<vmem_shared>> -> memref<10000x128xf32, #tpu.memory_space<vmem_shared>>
    tpu.enqueue_indirect_dma source(%dma_start3A_93 : memref<10000x128xf32, #tpu.memory_space<vmem_shared>>) target(%dma_start3A_87 : memref<128x128xf32, #tpu.memory_space<vmem>>) offsets(%dma_start3A_90 : memref<128xi32, #tpu.memory_space<vmem>>) semaphore(%arg8 : memref<!tpu.dma_semaphore, #tpu.memory_space<semaphore_mem>>)
    %scan3A = arith.constant 0 : i32
    %scan3A_94 = arith.constant 0 : i32
    %scan3A_95 = arith.constant 66 : i32
    %scan3A_96 = arith.addi %scan3A_94, %scan3A_95 : i32
    %scan3A_97 = arith.constant 1 : i32
    scf.for %scan3A_188 = %scan3A_94 to %scan3A_96 step %scan3A_97  : i32 {
      %mul3A_189 = arith.constant 3 : i32
      %mul3A_190 = arith.muli %mul3A_189, %scan3A_188 : i32
      %add3A_191 = arith.constant 1 : i32
      %add3A_192 = arith.addi %add3A_191, %mul3A_190 : i32
      %add3A_193 = arith.constant 0 : i32
      %add3A_194 = arith.addi %add3A_192, %add3A_193 : i32
      %jit3A = arith.constant 5 : i32
      %div3A = arith.divsi %add3A_194, %jit3A : i32
      %sign3A = arith.constant 0 : i32
      %sign3A_195 = arith.cmpi sgt, %add3A_194, %sign3A : i32
      %sign3A_196 = arith.extui %sign3A_195 : i1 to i32
      %sign3A_197 = arith.constant 0 : i32
      %sign3A_198 = arith.cmpi slt, %add3A_194, %sign3A_197 : i32
      %sign3A_199 = arith.extui %sign3A_198 : i1 to i32
      %sign3A_200 = arith.subi %sign3A_196, %sign3A_199 : i32
      %sign3A_201 = arith.constant 0 : i32
      %sign3A_202 = arith.cmpi sgt, %jit3A, %sign3A_201 : i32
      %sign3A_203 = arith.extui %sign3A_202 : i1 to i32
      %sign3A_204 = arith.constant 0 : i32
      %sign3A_205 = arith.cmpi slt, %jit3A, %sign3A_204 : i32
      %sign3A_206 = arith.extui %sign3A_205 : i1 to i32
      %sign3A_207 = arith.subi %sign3A_203, %sign3A_206 : i32
      %ne3A = arith.cmpi ne, %sign3A_200, %sign3A_207 : i32
      %rem3A = arith.remsi %add3A_194, %jit3A : i32
      %ne3A_208 = arith.constant 0 : i32
      %ne3A_209 = arith.cmpi ne, %rem3A, %ne3A_208 : i32
      %and3A = arith.andi %ne3A, %ne3A_209 : i1
      %sub3A = arith.constant 1 : i32
      %sub3A_210 = arith.subi %div3A, %sub3A : i32
      %select_n3A = arith.select %and3A, %sub3A_210, %div3A : i32
      %jit3A_211 = arith.constant 5 : i32
      %eq3A = arith.constant 0 : i32
      %eq3A_212 = arith.cmpi eq, %jit3A_211, %eq3A : i32
      %jit3A_213 = arith.constant 1 : i32
      %select_n3A_214 = arith.select %eq3A_212, %jit3A_213, %jit3A_211 : i32
      %rem3A_215 = arith.remsi %add3A_194, %select_n3A_214 : i32
      %ne3A_216 = arith.constant 0 : i32
      %ne3A_217 = arith.cmpi ne, %rem3A_215, %ne3A_216 : i32
      %lt3A = arith.constant 0 : i32
      %lt3A_218 = arith.cmpi slt, %rem3A_215, %lt3A : i32
      %lt3A_219 = arith.constant 0 : i32
      %lt3A_220 = arith.cmpi slt, %select_n3A_214, %lt3A_219 : i32
      %ne3A_221 = arith.xori %lt3A_218, %lt3A_220 : i1
      %and3A_222 = arith.andi %ne3A_221, %ne3A_217 : i1
      %add3A_223 = arith.addi %rem3A_215, %select_n3A_214 : i32
      %select_n3A_224 = arith.select %and3A_222, %add3A_223, %rem3A_215 : i32
      %eq3A_225 = arith.constant 0 : i32
      %eq3A_226 = arith.cmpi eq, %select_n3A_224, %eq3A_225 : i32
      %gt3A = arith.constant 0 : i32
      %gt3A_227 = arith.cmpi sgt, %add3A_194, %gt3A : i32
      %lt3A_228 = arith.constant 39 : i32
      %lt3A_229 = arith.cmpi slt, %select_n3A, %lt3A_228 : i32
      %and3A_230 = arith.andi %gt3A_227, %lt3A_229 : i1
      %and3A_231 = arith.andi %eq3A_226, %and3A_230 : i1
      %convert_element_type3A = arith.extui %and3A_231 : i1 to i32
      %cond3A = arith.constant 0 : i32
      %cond3A_232 = arith.cmpi ne, %convert_element_type3A, %cond3A : i32
      scf.if %cond3A_232 {
        %add3A_584 = arith.constant 1 : i32
        %add3A_585 = arith.addi %select_n3A, %add3A_584 : i32
        %mul3A_586 = arith.constant 5 : i32
        %mul3A_587 = arith.muli %add3A_585, %mul3A_586 : i32
        %add3A_588 = arith.addi %mul3A_6, %mul3A_587 : i32
        %jit3A_589 = arith.constant 2 : i32
        %eq3A_590 = arith.constant 0 : i32
        %eq3A_591 = arith.cmpi eq, %jit3A_589, %eq3A_590 : i32
        %jit3A_592 = arith.constant 1 : i32
        %select_n3A_593 = arith.select %eq3A_591, %jit3A_592, %jit3A_589 : i32
        %rem3A_594 = arith.remsi %add3A_585, %select_n3A_593 : i32
        %ne3A_595 = arith.constant 0 : i32
        %ne3A_596 = arith.cmpi ne, %rem3A_594, %ne3A_595 : i32
        %lt3A_597 = arith.constant 0 : i32
        %lt3A_598 = arith.cmpi slt, %rem3A_594, %lt3A_597 : i32
        %lt3A_599 = arith.constant 0 : i32
        %lt3A_600 = arith.cmpi slt, %select_n3A_593, %lt3A_599 : i32
        %ne3A_601 = arith.xori %lt3A_598, %lt3A_600 : i1
        %and3A_602 = arith.andi %ne3A_601, %ne3A_596 : i1
        %add3A_603 = arith.addi %rem3A_594, %select_n3A_593 : i32
        %select_n3A_604 = arith.select %and3A_602, %add3A_603, %rem3A_594 : i32
        %mul3A_605 = arith.constant 5 : i32
        %mul3A_606 = arith.muli %select_n3A_604, %mul3A_605 : i32
        %dma_start3A_607 = arith.constant 0 : i32
        %dma_start3A_608 = arith.constant 0 : i32
        %dma_start3A_609 = tpu.memref_slice %arg6[%mul3A_606, %dma_start3A_607, %dma_start3A_608] : memref<10x1x128xi32, #tpu.memory_space<vmem>> -> memref<5x1x128xi32, #tpu.memory_space<vmem>>
        %dma_start3A_610 = arith.constant 0 : i32
        %dma_start3A_611 = arith.constant 0 : i32
        %dma_start3A_612 = tpu.memref_slice %arg2[%add3A_588, %dma_start3A_610, %dma_start3A_611] : memref<6400x1x128xi32, #tpu.memory_space<hbm>> -> memref<5x1x128xi32, #tpu.memory_space<hbm>>
        %dma_start3A_613 = arith.constant 0 : i32
        %dma_start3A_614 = arith.constant 0 : i32
        %dma_start3A_615 = tpu.memref_slice %arg6[%mul3A_606, %dma_start3A_613, %dma_start3A_614] : memref<10x1x128xi32, #tpu.memory_space<vmem>> -> memref<5x1x128xi32, #tpu.memory_space<vmem>>
        %dma_start3A_616 = arith.constant 0 : i32
        %dma_start3A_617 = arith.constant 0 : i32
        %dma_start3A_618 = tpu.memref_slice %arg2[%add3A_588, %dma_start3A_616, %dma_start3A_617] : memref<6400x1x128xi32, #tpu.memory_space<hbm>> -> memref<5x1x128xi32, #tpu.memory_space<hbm>>
        tpu.enqueue_dma source(%dma_start3A_618 : memref<5x1x128xi32, #tpu.memory_space<hbm>>) target(%dma_start3A_615 : memref<5x1x128xi32, #tpu.memory_space<vmem>>) target_semaphore(%arg12 : memref<!tpu.dma_semaphore, #tpu.memory_space<semaphore_mem>>)
      } else {
      }
      %jit3A_233 = arith.constant 5 : i32
      %eq3A_234 = arith.constant 0 : i32
      %eq3A_235 = arith.cmpi eq, %jit3A_233, %eq3A_234 : i32
      %jit3A_236 = arith.constant 1 : i32
      %select_n3A_237 = arith.select %eq3A_235, %jit3A_236, %jit3A_233 : i32
      %rem3A_238 = arith.remsi %add3A_194, %select_n3A_237 : i32
      %ne3A_239 = arith.constant 0 : i32
      %ne3A_240 = arith.cmpi ne, %rem3A_238, %ne3A_239 : i32
      %lt3A_241 = arith.constant 0 : i32
      %lt3A_242 = arith.cmpi slt, %rem3A_238, %lt3A_241 : i32
      %lt3A_243 = arith.constant 0 : i32
      %lt3A_244 = arith.cmpi slt, %select_n3A_237, %lt3A_243 : i32
      %ne3A_245 = arith.xori %lt3A_242, %lt3A_244 : i1
      %and3A_246 = arith.andi %ne3A_245, %ne3A_240 : i1
      %add3A_247 = arith.addi %rem3A_238, %select_n3A_237 : i32
      %select_n3A_248 = arith.select %and3A_246, %add3A_247, %rem3A_238 : i32
      %eq3A_249 = arith.constant 3 : i32
      %eq3A_250 = arith.cmpi eq, %select_n3A_248, %eq3A_249 : i32
      %add3A_251 = arith.constant 2 : i32
      %add3A_252 = arith.addi %add3A_194, %add3A_251 : i32
      %lt3A_253 = arith.constant 200 : i32
      %lt3A_254 = arith.cmpi slt, %add3A_252, %lt3A_253 : i32
      %and3A_255 = arith.andi %eq3A_250, %lt3A_254 : i1
      %convert_element_type3A_256 = arith.extui %and3A_255 : i1 to i32
      %cond3A_257 = arith.constant 0 : i32
      %cond3A_258 = arith.cmpi ne, %convert_element_type3A_256, %cond3A_257 : i32
      scf.if %cond3A_258 {
        %add3A_584 = arith.constant 2 : i32
        %add3A_585 = arith.addi %add3A_194, %add3A_584 : i32
        %jit3A_586 = arith.constant 5 : i32
        %div3A_587 = arith.divsi %add3A_585, %jit3A_586 : i32
        %sign3A_588 = arith.constant 0 : i32
        %sign3A_589 = arith.cmpi sgt, %add3A_585, %sign3A_588 : i32
        %sign3A_590 = arith.extui %sign3A_589 : i1 to i32
        %sign3A_591 = arith.constant 0 : i32
        %sign3A_592 = arith.cmpi slt, %add3A_585, %sign3A_591 : i32
        %sign3A_593 = arith.extui %sign3A_592 : i1 to i32
        %sign3A_594 = arith.subi %sign3A_590, %sign3A_593 : i32
        %sign3A_595 = arith.constant 0 : i32
        %sign3A_596 = arith.cmpi sgt, %jit3A_586, %sign3A_595 : i32
        %sign3A_597 = arith.extui %sign3A_596 : i1 to i32
        %sign3A_598 = arith.constant 0 : i32
        %sign3A_599 = arith.cmpi slt, %jit3A_586, %sign3A_598 : i32
        %sign3A_600 = arith.extui %sign3A_599 : i1 to i32
        %sign3A_601 = arith.subi %sign3A_597, %sign3A_600 : i32
        %ne3A_602 = arith.cmpi ne, %sign3A_594, %sign3A_601 : i32
        %rem3A_603 = arith.remsi %add3A_585, %jit3A_586 : i32
        %ne3A_604 = arith.constant 0 : i32
        %ne3A_605 = arith.cmpi ne, %rem3A_603, %ne3A_604 : i32
        %and3A_606 = arith.andi %ne3A_602, %ne3A_605 : i1
        %sub3A_607 = arith.constant 1 : i32
        %sub3A_608 = arith.subi %div3A_587, %sub3A_607 : i32
        %select_n3A_609 = arith.select %and3A_606, %sub3A_608, %div3A_587 : i32
        %mul3A_610 = arith.constant 5 : i32
        %mul3A_611 = arith.muli %select_n3A_609, %mul3A_610 : i32
        %add3A_612 = arith.addi %mul3A_6, %mul3A_611 : i32
        %jit3A_613 = arith.constant 2 : i32
        %eq3A_614 = arith.constant 0 : i32
        %eq3A_615 = arith.cmpi eq, %jit3A_613, %eq3A_614 : i32
        %jit3A_616 = arith.constant 1 : i32
        %select_n3A_617 = arith.select %eq3A_615, %jit3A_616, %jit3A_613 : i32
        %rem3A_618 = arith.remsi %select_n3A_609, %select_n3A_617 : i32
        %ne3A_619 = arith.constant 0 : i32
        %ne3A_620 = arith.cmpi ne, %rem3A_618, %ne3A_619 : i32
        %lt3A_621 = arith.constant 0 : i32
        %lt3A_622 = arith.cmpi slt, %rem3A_618, %lt3A_621 : i32
        %lt3A_623 = arith.constant 0 : i32
        %lt3A_624 = arith.cmpi slt, %select_n3A_617, %lt3A_623 : i32
        %ne3A_625 = arith.xori %lt3A_622, %lt3A_624 : i1
        %and3A_626 = arith.andi %ne3A_625, %ne3A_620 : i1
        %add3A_627 = arith.addi %rem3A_618, %select_n3A_617 : i32
        %select_n3A_628 = arith.select %and3A_626, %add3A_627, %rem3A_618 : i32
        %mul3A_629 = arith.constant 5 : i32
        %mul3A_630 = arith.muli %select_n3A_628, %mul3A_629 : i32
        %dma_wait3A_631 = arith.constant 0 : i32
        %dma_wait3A_632 = arith.constant 0 : i32
        %dma_wait3A_633 = tpu.memref_slice %arg6[%mul3A_630, %dma_wait3A_631, %dma_wait3A_632] : memref<10x1x128xi32, #tpu.memory_space<vmem>> -> memref<5x1x128xi32, #tpu.memory_space<vmem>>
        %dma_wait3A_634 = arith.constant 0 : i32
        %dma_wait3A_635 = arith.constant 0 : i32
        %dma_wait3A_636 = tpu.memref_slice %arg2[%add3A_612, %dma_wait3A_634, %dma_wait3A_635] : memref<6400x1x128xi32, #tpu.memory_space<hbm>> -> memref<5x1x128xi32, #tpu.memory_space<hbm>>
        %dma_wait3A_637 = arith.constant 0 : i32
        %dma_wait3A_638 = arith.constant 0 : i32
        %dma_wait3A_639 = tpu.memref_slice %arg6[%mul3A_630, %dma_wait3A_637, %dma_wait3A_638] : memref<10x1x128xi32, #tpu.memory_space<vmem>> -> memref<5x1x128xi32, #tpu.memory_space<vmem>>
        %dma_wait3A_640 = arith.constant 0 : i32
        %dma_wait3A_641 = arith.constant 0 : i32
        %dma_wait3A_642 = tpu.memref_slice %arg2[%add3A_612, %dma_wait3A_640, %dma_wait3A_641] : memref<6400x1x128xi32, #tpu.memory_space<hbm>> -> memref<5x1x128xi32, #tpu.memory_space<hbm>>
        tpu.wait_dma2 semaphore(%arg12 : memref<!tpu.dma_semaphore, #tpu.memory_space<semaphore_mem>>) src(%dma_wait3A_642 : memref<5x1x128xi32, #tpu.memory_space<hbm>>) dst(%dma_wait3A_639 : memref<5x1x128xi32, #tpu.memory_space<vmem>>)
      } else {
      }
      %jit3A_259 = arith.constant 10 : i32
      %eq3A_260 = arith.constant 0 : i32
      %eq3A_261 = arith.cmpi eq, %jit3A_259, %eq3A_260 : i32
      %jit3A_262 = arith.constant 1 : i32
      %select_n3A_263 = arith.select %eq3A_261, %jit3A_262, %jit3A_259 : i32
      %rem3A_264 = arith.remsi %add3A_194, %select_n3A_263 : i32
      %ne3A_265 = arith.constant 0 : i32
      %ne3A_266 = arith.cmpi ne, %rem3A_264, %ne3A_265 : i32
      %lt3A_267 = arith.constant 0 : i32
      %lt3A_268 = arith.cmpi slt, %rem3A_264, %lt3A_267 : i32
      %lt3A_269 = arith.constant 0 : i32
      %lt3A_270 = arith.cmpi slt, %select_n3A_263, %lt3A_269 : i32
      %ne3A_271 = arith.xori %lt3A_268, %lt3A_270 : i1
      %and3A_272 = arith.andi %ne3A_271, %ne3A_266 : i1
      %add3A_273 = arith.addi %rem3A_264, %select_n3A_263 : i32
      %select_n3A_274 = arith.select %and3A_272, %add3A_273, %rem3A_264 : i32
      %dma_wait3A_275 = arith.constant 0 : i32
      %dma_wait3A_276 = arith.constant 1 : i32
      %dma_wait3A_277 = arith.constant 0 : i32
      %dma_wait3A_278 = arith.constant 0 : i32
      %dma_wait3A_279 = tpu.memref_slice %arg7[%dma_wait3A_276, %dma_wait3A_277, %dma_wait3A_278] : memref<3x128x128xf32, #tpu.memory_space<vmem>> -> memref<1x128x128xf32, #tpu.memory_space<vmem>>
      %dma_wait3A_280 = tpu.memref_squeeze %dma_wait3A_279 : memref<1x128x128xf32, #tpu.memory_space<vmem>> -> memref<128x128xf32, #tpu.memory_space<vmem>>
      %dma_wait3A_281 = arith.constant 0 : i32
      %dma_wait3A_282 = tpu.memref_slice %arg6[%select_n3A_274, %dma_wait3A_275, %dma_wait3A_281] : memref<10x1x128xi32, #tpu.memory_space<vmem>> -> memref<1x1x128xi32, #tpu.memory_space<vmem>>
      %dma_wait3A_283 = tpu.memref_squeeze %dma_wait3A_282 : memref<1x1x128xi32, #tpu.memory_space<vmem>> -> memref<128xi32, #tpu.memory_space<vmem>>
      %dma_wait3A_284 = arith.constant 0 : i32
      %dma_wait3A_285 = arith.constant 0 : i32
      %dma_wait3A_286 = tpu.memref_slice %arg5[%dma_wait3A_284, %dma_wait3A_285] : memref<10000x128xf32, #tpu.memory_space<vmem_shared>> -> memref<10000x128xf32, #tpu.memory_space<vmem_shared>>
      tpu.wait_indirect_dma semaphore(%arg8 : memref<!tpu.dma_semaphore, #tpu.memory_space<semaphore_mem>>) src(%dma_wait3A_286 : memref<10000x128xf32, #tpu.memory_space<vmem_shared>>) dst(%dma_wait3A_280 : memref<128x128xf32, #tpu.memory_space<vmem>>)
      %add3A_287 = arith.addi %mul3A_8, %add3A_194 : i32
      %dma_start3A_288 = arith.constant 1 : i32
      %dma_start3A_289 = arith.constant 0 : i32
      %dma_start3A_290 = arith.constant 0 : i32
      %dma_start3A_291 = tpu.memref_slice %arg7[%dma_start3A_288, %dma_start3A_289, %dma_start3A_290] : memref<3x128x128xf32, #tpu.memory_space<vmem>> -> memref<1x128x128xf32, #tpu.memory_space<vmem>>
      %dma_start3A_292 = tpu.memref_squeeze %dma_start3A_291 : memref<1x128x128xf32, #tpu.memory_space<vmem>> -> memref<128x128xf32, #tpu.memory_space<vmem>>
      %dma_start3A_293 = arith.constant 0 : i32
      %dma_start3A_294 = arith.constant 0 : i32
      %dma_start3A_295 = tpu.memref_slice %arg4[%add3A_287, %dma_start3A_293, %dma_start3A_294] : memref<6400x128x128xf32, #tpu.memory_space<hbm>> -> memref<1x128x128xf32, #tpu.memory_space<hbm>>
      %dma_start3A_296 = tpu.memref_squeeze %dma_start3A_295 : memref<1x128x128xf32, #tpu.memory_space<hbm>> -> memref<128x128xf32, #tpu.memory_space<hbm>>
      %dma_start3A_297 = arith.constant 0 : i32
      %dma_start3A_298 = arith.constant 0 : i32
      %dma_start3A_299 = tpu.memref_slice %arg4[%add3A_287, %dma_start3A_297, %dma_start3A_298] : memref<6400x128x128xf32, #tpu.memory_space<hbm>> -> memref<1x128x128xf32, #tpu.memory_space<hbm>>
      %dma_start3A_300 = tpu.memref_squeeze %dma_start3A_299 : memref<1x128x128xf32, #tpu.memory_space<hbm>> -> memref<128x128xf32, #tpu.memory_space<hbm>>
      %dma_start3A_301 = arith.constant 0 : i32
      %dma_start3A_302 = arith.constant 0 : i32
      %dma_start3A_303 = tpu.memref_slice %arg7[%dma_start3A_288, %dma_start3A_301, %dma_start3A_302] : memref<3x128x128xf32, #tpu.memory_space<vmem>> -> memref<1x128x128xf32, #tpu.memory_space<vmem>>
      %dma_start3A_304 = tpu.memref_squeeze %dma_start3A_303 : memref<1x128x128xf32, #tpu.memory_space<vmem>> -> memref<128x128xf32, #tpu.memory_space<vmem>>
      tpu.enqueue_dma source(%dma_start3A_304 : memref<128x128xf32, #tpu.memory_space<vmem>>) target(%dma_start3A_300 : memref<128x128xf32, #tpu.memory_space<hbm>>) target_semaphore(%arg10 : memref<!tpu.dma_semaphore, #tpu.memory_space<semaphore_mem>>)
      %add3A_305 = arith.constant 2 : i32
      %add3A_306 = arith.addi %add3A_194, %add3A_305 : i32
      %lt3A_307 = arith.constant 200 : i32
      %lt3A_308 = arith.cmpi slt, %add3A_306, %lt3A_307 : i32
      %convert_element_type3A_309 = arith.extui %lt3A_308 : i1 to i32
      %cond3A_310 = arith.constant 0 : i32
      %cond3A_311 = arith.cmpi ne, %convert_element_type3A_309, %cond3A_310 : i32
      scf.if %cond3A_311 {
        %sub3A_584 = arith.constant 1 : i32
        %sub3A_585 = arith.subi %add3A_194, %sub3A_584 : i32
        %add3A_586 = arith.addi %mul3A_8, %sub3A_585 : i32
        %dma_wait3A_587 = arith.constant 0 : i32
        %dma_wait3A_588 = arith.constant 0 : i32
        %dma_wait3A_589 = arith.constant 0 : i32
        %dma_wait3A_590 = tpu.memref_slice %arg7[%dma_wait3A_587, %dma_wait3A_588, %dma_wait3A_589] : memref<3x128x128xf32, #tpu.memory_space<vmem>> -> memref<1x128x128xf32, #tpu.memory_space<vmem>>
        %dma_wait3A_591 = tpu.memref_squeeze %dma_wait3A_590 : memref<1x128x128xf32, #tpu.memory_space<vmem>> -> memref<128x128xf32, #tpu.memory_space<vmem>>
        %dma_wait3A_592 = arith.constant 0 : i32
        %dma_wait3A_593 = arith.constant 0 : i32
        %dma_wait3A_594 = tpu.memref_slice %arg4[%add3A_586, %dma_wait3A_592, %dma_wait3A_593] : memref<6400x128x128xf32, #tpu.memory_space<hbm>> -> memref<1x128x128xf32, #tpu.memory_space<hbm>>
        %dma_wait3A_595 = tpu.memref_squeeze %dma_wait3A_594 : memref<1x128x128xf32, #tpu.memory_space<hbm>> -> memref<128x128xf32, #tpu.memory_space<hbm>>
        %dma_wait3A_596 = arith.constant 0 : i32
        %dma_wait3A_597 = arith.constant 0 : i32
        %dma_wait3A_598 = tpu.memref_slice %arg4[%add3A_586, %dma_wait3A_596, %dma_wait3A_597] : memref<6400x128x128xf32, #tpu.memory_space<hbm>> -> memref<1x128x128xf32, #tpu.memory_space<hbm>>
        %dma_wait3A_599 = tpu.memref_squeeze %dma_wait3A_598 : memref<1x128x128xf32, #tpu.memory_space<hbm>> -> memref<128x128xf32, #tpu.memory_space<hbm>>
        %dma_wait3A_600 = arith.constant 0 : i32
        %dma_wait3A_601 = arith.constant 0 : i32
        %dma_wait3A_602 = tpu.memref_slice %arg7[%dma_wait3A_587, %dma_wait3A_600, %dma_wait3A_601] : memref<3x128x128xf32, #tpu.memory_space<vmem>> -> memref<1x128x128xf32, #tpu.memory_space<vmem>>
        %dma_wait3A_603 = tpu.memref_squeeze %dma_wait3A_602 : memref<1x128x128xf32, #tpu.memory_space<vmem>> -> memref<128x128xf32, #tpu.memory_space<vmem>>
        tpu.wait_dma2 semaphore(%arg9 : memref<!tpu.dma_semaphore, #tpu.memory_space<semaphore_mem>>) src(%dma_wait3A_603 : memref<128x128xf32, #tpu.memory_space<vmem>>) dst(%dma_wait3A_599 : memref<128x128xf32, #tpu.memory_space<hbm>>)
        %add3A_604 = arith.constant 2 : i32
        %add3A_605 = arith.addi %add3A_194, %add3A_604 : i32
        %jit3A_606 = arith.constant 10 : i32
        %eq3A_607 = arith.constant 0 : i32
        %eq3A_608 = arith.cmpi eq, %jit3A_606, %eq3A_607 : i32
        %jit3A_609 = arith.constant 1 : i32
        %select_n3A_610 = arith.select %eq3A_608, %jit3A_609, %jit3A_606 : i32
        %rem3A_611 = arith.remsi %add3A_605, %select_n3A_610 : i32
        %ne3A_612 = arith.constant 0 : i32
        %ne3A_613 = arith.cmpi ne, %rem3A_611, %ne3A_612 : i32
        %lt3A_614 = arith.constant 0 : i32
        %lt3A_615 = arith.cmpi slt, %rem3A_611, %lt3A_614 : i32
        %lt3A_616 = arith.constant 0 : i32
        %lt3A_617 = arith.cmpi slt, %select_n3A_610, %lt3A_616 : i32
        %ne3A_618 = arith.xori %lt3A_615, %lt3A_617 : i1
        %and3A_619 = arith.andi %ne3A_618, %ne3A_613 : i1
        %add3A_620 = arith.addi %rem3A_611, %select_n3A_610 : i32
        %select_n3A_621 = arith.select %and3A_619, %add3A_620, %rem3A_611 : i32
        %dma_start3A_622 = arith.constant 0 : i32
        %dma_start3A_623 = arith.constant 0 : i32
        %dma_start3A_624 = arith.constant 0 : i32
        %dma_start3A_625 = arith.constant 0 : i32
        %dma_start3A_626 = tpu.memref_slice %arg7[%dma_start3A_623, %dma_start3A_624, %dma_start3A_625] : memref<3x128x128xf32, #tpu.memory_space<vmem>> -> memref<1x128x128xf32, #tpu.memory_space<vmem>>
        %dma_start3A_627 = tpu.memref_squeeze %dma_start3A_626 : memref<1x128x128xf32, #tpu.memory_space<vmem>> -> memref<128x128xf32, #tpu.memory_space<vmem>>
        %dma_start3A_628 = arith.constant 0 : i32
        %dma_start3A_629 = tpu.memref_slice %arg6[%select_n3A_621, %dma_start3A_622, %dma_start3A_628] : memref<10x1x128xi32, #tpu.memory_space<vmem>> -> memref<1x1x128xi32, #tpu.memory_space<vmem>>
        %dma_start3A_630 = tpu.memref_squeeze %dma_start3A_629 : memref<1x1x128xi32, #tpu.memory_space<vmem>> -> memref<128xi32, #tpu.memory_space<vmem>>
        %dma_start3A_631 = arith.constant 0 : i32
        %dma_start3A_632 = arith.constant 0 : i32
        %dma_start3A_633 = tpu.memref_slice %arg5[%dma_start3A_631, %dma_start3A_632] : memref<10000x128xf32, #tpu.memory_space<vmem_shared>> -> memref<10000x128xf32, #tpu.memory_space<vmem_shared>>
        tpu.enqueue_indirect_dma source(%dma_start3A_633 : memref<10000x128xf32, #tpu.memory_space<vmem_shared>>) target(%dma_start3A_627 : memref<128x128xf32, #tpu.memory_space<vmem>>) offsets(%dma_start3A_630 : memref<128xi32, #tpu.memory_space<vmem>>) semaphore(%arg8 : memref<!tpu.dma_semaphore, #tpu.memory_space<semaphore_mem>>)
      } else {
      }
      %mul3A_312 = arith.constant 3 : i32
      %mul3A_313 = arith.muli %mul3A_312, %scan3A_188 : i32
      %add3A_314 = arith.constant 1 : i32
      %add3A_315 = arith.addi %add3A_314, %mul3A_313 : i32
      %add3A_316 = arith.constant 1 : i32
      %add3A_317 = arith.addi %add3A_315, %add3A_316 : i32
      %jit3A_318 = arith.constant 5 : i32
      %div3A_319 = arith.divsi %add3A_317, %jit3A_318 : i32
      %sign3A_320 = arith.constant 0 : i32
      %sign3A_321 = arith.cmpi sgt, %add3A_317, %sign3A_320 : i32
      %sign3A_322 = arith.extui %sign3A_321 : i1 to i32
      %sign3A_323 = arith.constant 0 : i32
      %sign3A_324 = arith.cmpi slt, %add3A_317, %sign3A_323 : i32
      %sign3A_325 = arith.extui %sign3A_324 : i1 to i32
      %sign3A_326 = arith.subi %sign3A_322, %sign3A_325 : i32
      %sign3A_327 = arith.constant 0 : i32
      %sign3A_328 = arith.cmpi sgt, %jit3A_318, %sign3A_327 : i32
      %sign3A_329 = arith.extui %sign3A_328 : i1 to i32
      %sign3A_330 = arith.constant 0 : i32
      %sign3A_331 = arith.cmpi slt, %jit3A_318, %sign3A_330 : i32
      %sign3A_332 = arith.extui %sign3A_331 : i1 to i32
      %sign3A_333 = arith.subi %sign3A_329, %sign3A_332 : i32
      %ne3A_334 = arith.cmpi ne, %sign3A_326, %sign3A_333 : i32
      %rem3A_335 = arith.remsi %add3A_317, %jit3A_318 : i32
      %ne3A_336 = arith.constant 0 : i32
      %ne3A_337 = arith.cmpi ne, %rem3A_335, %ne3A_336 : i32
      %and3A_338 = arith.andi %ne3A_334, %ne3A_337 : i1
      %sub3A_339 = arith.constant 1 : i32
      %sub3A_340 = arith.subi %div3A_319, %sub3A_339 : i32
      %select_n3A_341 = arith.select %and3A_338, %sub3A_340, %div3A_319 : i32
      %jit3A_342 = arith.constant 5 : i32
      %eq3A_343 = arith.constant 0 : i32
      %eq3A_344 = arith.cmpi eq, %jit3A_342, %eq3A_343 : i32
      %jit3A_345 = arith.constant 1 : i32
      %select_n3A_346 = arith.select %eq3A_344, %jit3A_345, %jit3A_342 : i32
      %rem3A_347 = arith.remsi %add3A_317, %select_n3A_346 : i32
      %ne3A_348 = arith.constant 0 : i32
      %ne3A_349 = arith.cmpi ne, %rem3A_347, %ne3A_348 : i32
      %lt3A_350 = arith.constant 0 : i32
      %lt3A_351 = arith.cmpi slt, %rem3A_347, %lt3A_350 : i32
      %lt3A_352 = arith.constant 0 : i32
      %lt3A_353 = arith.cmpi slt, %select_n3A_346, %lt3A_352 : i32
      %ne3A_354 = arith.xori %lt3A_351, %lt3A_353 : i1
      %and3A_355 = arith.andi %ne3A_354, %ne3A_349 : i1
      %add3A_356 = arith.addi %rem3A_347, %select_n3A_346 : i32
      %select_n3A_357 = arith.select %and3A_355, %add3A_356, %rem3A_347 : i32
      %eq3A_358 = arith.constant 0 : i32
      %eq3A_359 = arith.cmpi eq, %select_n3A_357, %eq3A_358 : i32
      %gt3A_360 = arith.constant 0 : i32
      %gt3A_361 = arith.cmpi sgt, %add3A_317, %gt3A_360 : i32
      %lt3A_362 = arith.constant 39 : i32
      %lt3A_363 = arith.cmpi slt, %select_n3A_341, %lt3A_362 : i32
      %and3A_364 = arith.andi %gt3A_361, %lt3A_363 : i1
      %and3A_365 = arith.andi %eq3A_359, %and3A_364 : i1
      %convert_element_type3A_366 = arith.extui %and3A_365 : i1 to i32
      %cond3A_367 = arith.constant 0 : i32
      %cond3A_368 = arith.cmpi ne, %convert_element_type3A_366, %cond3A_367 : i32
      scf.if %cond3A_368 {
        %add3A_584 = arith.constant 1 : i32
        %add3A_585 = arith.addi %select_n3A_341, %add3A_584 : i32
        %mul3A_586 = arith.constant 5 : i32
        %mul3A_587 = arith.muli %add3A_585, %mul3A_586 : i32
        %add3A_588 = arith.addi %mul3A_6, %mul3A_587 : i32
        %jit3A_589 = arith.constant 2 : i32
        %eq3A_590 = arith.constant 0 : i32
        %eq3A_591 = arith.cmpi eq, %jit3A_589, %eq3A_590 : i32
        %jit3A_592 = arith.constant 1 : i32
        %select_n3A_593 = arith.select %eq3A_591, %jit3A_592, %jit3A_589 : i32
        %rem3A_594 = arith.remsi %add3A_585, %select_n3A_593 : i32
        %ne3A_595 = arith.constant 0 : i32
        %ne3A_596 = arith.cmpi ne, %rem3A_594, %ne3A_595 : i32
        %lt3A_597 = arith.constant 0 : i32
        %lt3A_598 = arith.cmpi slt, %rem3A_594, %lt3A_597 : i32
        %lt3A_599 = arith.constant 0 : i32
        %lt3A_600 = arith.cmpi slt, %select_n3A_593, %lt3A_599 : i32
        %ne3A_601 = arith.xori %lt3A_598, %lt3A_600 : i1
        %and3A_602 = arith.andi %ne3A_601, %ne3A_596 : i1
        %add3A_603 = arith.addi %rem3A_594, %select_n3A_593 : i32
        %select_n3A_604 = arith.select %and3A_602, %add3A_603, %rem3A_594 : i32
        %mul3A_605 = arith.constant 5 : i32
        %mul3A_606 = arith.muli %select_n3A_604, %mul3A_605 : i32
        %dma_start3A_607 = arith.constant 0 : i32
        %dma_start3A_608 = arith.constant 0 : i32
        %dma_start3A_609 = tpu.memref_slice %arg6[%mul3A_606, %dma_start3A_607, %dma_start3A_608] : memref<10x1x128xi32, #tpu.memory_space<vmem>> -> memref<5x1x128xi32, #tpu.memory_space<vmem>>
        %dma_start3A_610 = arith.constant 0 : i32
        %dma_start3A_611 = arith.constant 0 : i32
        %dma_start3A_612 = tpu.memref_slice %arg2[%add3A_588, %dma_start3A_610, %dma_start3A_611] : memref<6400x1x128xi32, #tpu.memory_space<hbm>> -> memref<5x1x128xi32, #tpu.memory_space<hbm>>
        %dma_start3A_613 = arith.constant 0 : i32
        %dma_start3A_614 = arith.constant 0 : i32
        %dma_start3A_615 = tpu.memref_slice %arg6[%mul3A_606, %dma_start3A_613, %dma_start3A_614] : memref<10x1x128xi32, #tpu.memory_space<vmem>> -> memref<5x1x128xi32, #tpu.memory_space<vmem>>
        %dma_start3A_616 = arith.constant 0 : i32
        %dma_start3A_617 = arith.constant 0 : i32
        %dma_start3A_618 = tpu.memref_slice %arg2[%add3A_588, %dma_start3A_616, %dma_start3A_617] : memref<6400x1x128xi32, #tpu.memory_space<hbm>> -> memref<5x1x128xi32, #tpu.memory_space<hbm>>
        tpu.enqueue_dma source(%dma_start3A_618 : memref<5x1x128xi32, #tpu.memory_space<hbm>>) target(%dma_start3A_615 : memref<5x1x128xi32, #tpu.memory_space<vmem>>) target_semaphore(%arg12 : memref<!tpu.dma_semaphore, #tpu.memory_space<semaphore_mem>>)
      } else {
      }
      %jit3A_369 = arith.constant 5 : i32
      %eq3A_370 = arith.constant 0 : i32
      %eq3A_371 = arith.cmpi eq, %jit3A_369, %eq3A_370 : i32
      %jit3A_372 = arith.constant 1 : i32
      %select_n3A_373 = arith.select %eq3A_371, %jit3A_372, %jit3A_369 : i32
      %rem3A_374 = arith.remsi %add3A_317, %select_n3A_373 : i32
      %ne3A_375 = arith.constant 0 : i32
      %ne3A_376 = arith.cmpi ne, %rem3A_374, %ne3A_375 : i32
      %lt3A_377 = arith.constant 0 : i32
      %lt3A_378 = arith.cmpi slt, %rem3A_374, %lt3A_377 : i32
      %lt3A_379 = arith.constant 0 : i32
      %lt3A_380 = arith.cmpi slt, %select_n3A_373, %lt3A_379 : i32
      %ne3A_381 = arith.xori %lt3A_378, %lt3A_380 : i1
      %and3A_382 = arith.andi %ne3A_381, %ne3A_376 : i1
      %add3A_383 = arith.addi %rem3A_374, %select_n3A_373 : i32
      %select_n3A_384 = arith.select %and3A_382, %add3A_383, %rem3A_374 : i32
      %eq3A_385 = arith.constant 3 : i32
      %eq3A_386 = arith.cmpi eq, %select_n3A_384, %eq3A_385 : i32
      %add3A_387 = arith.constant 2 : i32
      %add3A_388 = arith.addi %add3A_317, %add3A_387 : i32
      %lt3A_389 = arith.constant 200 : i32
      %lt3A_390 = arith.cmpi slt, %add3A_388, %lt3A_389 : i32
      %and3A_391 = arith.andi %eq3A_386, %lt3A_390 : i1
      %convert_element_type3A_392 = arith.extui %and3A_391 : i1 to i32
      %cond3A_393 = arith.constant 0 : i32
      %cond3A_394 = arith.cmpi ne, %convert_element_type3A_392, %cond3A_393 : i32
      scf.if %cond3A_394 {
        %add3A_584 = arith.constant 2 : i32
        %add3A_585 = arith.addi %add3A_317, %add3A_584 : i32
        %jit3A_586 = arith.constant 5 : i32
        %div3A_587 = arith.divsi %add3A_585, %jit3A_586 : i32
        %sign3A_588 = arith.constant 0 : i32
        %sign3A_589 = arith.cmpi sgt, %add3A_585, %sign3A_588 : i32
        %sign3A_590 = arith.extui %sign3A_589 : i1 to i32
        %sign3A_591 = arith.constant 0 : i32
        %sign3A_592 = arith.cmpi slt, %add3A_585, %sign3A_591 : i32
        %sign3A_593 = arith.extui %sign3A_592 : i1 to i32
        %sign3A_594 = arith.subi %sign3A_590, %sign3A_593 : i32
        %sign3A_595 = arith.constant 0 : i32
        %sign3A_596 = arith.cmpi sgt, %jit3A_586, %sign3A_595 : i32
        %sign3A_597 = arith.extui %sign3A_596 : i1 to i32
        %sign3A_598 = arith.constant 0 : i32
        %sign3A_599 = arith.cmpi slt, %jit3A_586, %sign3A_598 : i32
        %sign3A_600 = arith.extui %sign3A_599 : i1 to i32
        %sign3A_601 = arith.subi %sign3A_597, %sign3A_600 : i32
        %ne3A_602 = arith.cmpi ne, %sign3A_594, %sign3A_601 : i32
        %rem3A_603 = arith.remsi %add3A_585, %jit3A_586 : i32
        %ne3A_604 = arith.constant 0 : i32
        %ne3A_605 = arith.cmpi ne, %rem3A_603, %ne3A_604 : i32
        %and3A_606 = arith.andi %ne3A_602, %ne3A_605 : i1
        %sub3A_607 = arith.constant 1 : i32
        %sub3A_608 = arith.subi %div3A_587, %sub3A_607 : i32
        %select_n3A_609 = arith.select %and3A_606, %sub3A_608, %div3A_587 : i32
        %mul3A_610 = arith.constant 5 : i32
        %mul3A_611 = arith.muli %select_n3A_609, %mul3A_610 : i32
        %add3A_612 = arith.addi %mul3A_6, %mul3A_611 : i32
        %jit3A_613 = arith.constant 2 : i32
        %eq3A_614 = arith.constant 0 : i32
        %eq3A_615 = arith.cmpi eq, %jit3A_613, %eq3A_614 : i32
        %jit3A_616 = arith.constant 1 : i32
        %select_n3A_617 = arith.select %eq3A_615, %jit3A_616, %jit3A_613 : i32
        %rem3A_618 = arith.remsi %select_n3A_609, %select_n3A_617 : i32
        %ne3A_619 = arith.constant 0 : i32
        %ne3A_620 = arith.cmpi ne, %rem3A_618, %ne3A_619 : i32
        %lt3A_621 = arith.constant 0 : i32
        %lt3A_622 = arith.cmpi slt, %rem3A_618, %lt3A_621 : i32
        %lt3A_623 = arith.constant 0 : i32
        %lt3A_624 = arith.cmpi slt, %select_n3A_617, %lt3A_623 : i32
        %ne3A_625 = arith.xori %lt3A_622, %lt3A_624 : i1
        %and3A_626 = arith.andi %ne3A_625, %ne3A_620 : i1
        %add3A_627 = arith.addi %rem3A_618, %select_n3A_617 : i32
        %select_n3A_628 = arith.select %and3A_626, %add3A_627, %rem3A_618 : i32
        %mul3A_629 = arith.constant 5 : i32
        %mul3A_630 = arith.muli %select_n3A_628, %mul3A_629 : i32
        %dma_wait3A_631 = arith.constant 0 : i32
        %dma_wait3A_632 = arith.constant 0 : i32
        %dma_wait3A_633 = tpu.memref_slice %arg6[%mul3A_630, %dma_wait3A_631, %dma_wait3A_632] : memref<10x1x128xi32, #tpu.memory_space<vmem>> -> memref<5x1x128xi32, #tpu.memory_space<vmem>>
        %dma_wait3A_634 = arith.constant 0 : i32
        %dma_wait3A_635 = arith.constant 0 : i32
        %dma_wait3A_636 = tpu.memref_slice %arg2[%add3A_612, %dma_wait3A_634, %dma_wait3A_635] : memref<6400x1x128xi32, #tpu.memory_space<hbm>> -> memref<5x1x128xi32, #tpu.memory_space<hbm>>
        %dma_wait3A_637 = arith.constant 0 : i32
        %dma_wait3A_638 = arith.constant 0 : i32
        %dma_wait3A_639 = tpu.memref_slice %arg6[%mul3A_630, %dma_wait3A_637, %dma_wait3A_638] : memref<10x1x128xi32, #tpu.memory_space<vmem>> -> memref<5x1x128xi32, #tpu.memory_space<vmem>>
        %dma_wait3A_640 = arith.constant 0 : i32
        %dma_wait3A_641 = arith.constant 0 : i32
        %dma_wait3A_642 = tpu.memref_slice %arg2[%add3A_612, %dma_wait3A_640, %dma_wait3A_641] : memref<6400x1x128xi32, #tpu.memory_space<hbm>> -> memref<5x1x128xi32, #tpu.memory_space<hbm>>
        tpu.wait_dma2 semaphore(%arg12 : memref<!tpu.dma_semaphore, #tpu.memory_space<semaphore_mem>>) src(%dma_wait3A_642 : memref<5x1x128xi32, #tpu.memory_space<hbm>>) dst(%dma_wait3A_639 : memref<5x1x128xi32, #tpu.memory_space<vmem>>)
      } else {
      }
      %jit3A_395 = arith.constant 10 : i32
      %eq3A_396 = arith.constant 0 : i32
      %eq3A_397 = arith.cmpi eq, %jit3A_395, %eq3A_396 : i32
      %jit3A_398 = arith.constant 1 : i32
      %select_n3A_399 = arith.select %eq3A_397, %jit3A_398, %jit3A_395 : i32
      %rem3A_400 = arith.remsi %add3A_317, %select_n3A_399 : i32
      %ne3A_401 = arith.constant 0 : i32
      %ne3A_402 = arith.cmpi ne, %rem3A_400, %ne3A_401 : i32
      %lt3A_403 = arith.constant 0 : i32
      %lt3A_404 = arith.cmpi slt, %rem3A_400, %lt3A_403 : i32
      %lt3A_405 = arith.constant 0 : i32
      %lt3A_406 = arith.cmpi slt, %select_n3A_399, %lt3A_405 : i32
      %ne3A_407 = arith.xori %lt3A_404, %lt3A_406 : i1
      %and3A_408 = arith.andi %ne3A_407, %ne3A_402 : i1
      %add3A_409 = arith.addi %rem3A_400, %select_n3A_399 : i32
      %select_n3A_410 = arith.select %and3A_408, %add3A_409, %rem3A_400 : i32
      %dma_wait3A_411 = arith.constant 0 : i32
      %dma_wait3A_412 = arith.constant 2 : i32
      %dma_wait3A_413 = arith.constant 0 : i32
      %dma_wait3A_414 = arith.constant 0 : i32
      %dma_wait3A_415 = tpu.memref_slice %arg7[%dma_wait3A_412, %dma_wait3A_413, %dma_wait3A_414] : memref<3x128x128xf32, #tpu.memory_space<vmem>> -> memref<1x128x128xf32, #tpu.memory_space<vmem>>
      %dma_wait3A_416 = tpu.memref_squeeze %dma_wait3A_415 : memref<1x128x128xf32, #tpu.memory_space<vmem>> -> memref<128x128xf32, #tpu.memory_space<vmem>>
      %dma_wait3A_417 = arith.constant 0 : i32
      %dma_wait3A_418 = tpu.memref_slice %arg6[%select_n3A_410, %dma_wait3A_411, %dma_wait3A_417] : memref<10x1x128xi32, #tpu.memory_space<vmem>> -> memref<1x1x128xi32, #tpu.memory_space<vmem>>
      %dma_wait3A_419 = tpu.memref_squeeze %dma_wait3A_418 : memref<1x1x128xi32, #tpu.memory_space<vmem>> -> memref<128xi32, #tpu.memory_space<vmem>>
      %dma_wait3A_420 = arith.constant 0 : i32
      %dma_wait3A_421 = arith.constant 0 : i32
      %dma_wait3A_422 = tpu.memref_slice %arg5[%dma_wait3A_420, %dma_wait3A_421] : memref<10000x128xf32, #tpu.memory_space<vmem_shared>> -> memref<10000x128xf32, #tpu.memory_space<vmem_shared>>
      tpu.wait_indirect_dma semaphore(%arg8 : memref<!tpu.dma_semaphore, #tpu.memory_space<semaphore_mem>>) src(%dma_wait3A_422 : memref<10000x128xf32, #tpu.memory_space<vmem_shared>>) dst(%dma_wait3A_416 : memref<128x128xf32, #tpu.memory_space<vmem>>)
      %add3A_423 = arith.addi %mul3A_8, %add3A_317 : i32
      %dma_start3A_424 = arith.constant 2 : i32
      %dma_start3A_425 = arith.constant 0 : i32
      %dma_start3A_426 = arith.constant 0 : i32
      %dma_start3A_427 = tpu.memref_slice %arg7[%dma_start3A_424, %dma_start3A_425, %dma_start3A_426] : memref<3x128x128xf32, #tpu.memory_space<vmem>> -> memref<1x128x128xf32, #tpu.memory_space<vmem>>
      %dma_start3A_428 = tpu.memref_squeeze %dma_start3A_427 : memref<1x128x128xf32, #tpu.memory_space<vmem>> -> memref<128x128xf32, #tpu.memory_space<vmem>>
      %dma_start3A_429 = arith.constant 0 : i32
      %dma_start3A_430 = arith.constant 0 : i32
      %dma_start3A_431 = tpu.memref_slice %arg4[%add3A_423, %dma_start3A_429, %dma_start3A_430] : memref<6400x128x128xf32, #tpu.memory_space<hbm>> -> memref<1x128x128xf32, #tpu.memory_space<hbm>>
      %dma_start3A_432 = tpu.memref_squeeze %dma_start3A_431 : memref<1x128x128xf32, #tpu.memory_space<hbm>> -> memref<128x128xf32, #tpu.memory_space<hbm>>
      %dma_start3A_433 = arith.constant 0 : i32
      %dma_start3A_434 = arith.constant 0 : i32
      %dma_start3A_435 = tpu.memref_slice %arg4[%add3A_423, %dma_start3A_433, %dma_start3A_434] : memref<6400x128x128xf32, #tpu.memory_space<hbm>> -> memref<1x128x128xf32, #tpu.memory_space<hbm>>
      %dma_start3A_436 = tpu.memref_squeeze %dma_start3A_435 : memref<1x128x128xf32, #tpu.memory_space<hbm>> -> memref<128x128xf32, #tpu.memory_space<hbm>>
      %dma_start3A_437 = arith.constant 0 : i32
      %dma_start3A_438 = arith.constant 0 : i32
      %dma_start3A_439 = tpu.memref_slice %arg7[%dma_start3A_424, %dma_start3A_437, %dma_start3A_438] : memref<3x128x128xf32, #tpu.memory_space<vmem>> -> memref<1x128x128xf32, #tpu.memory_space<vmem>>
      %dma_start3A_440 = tpu.memref_squeeze %dma_start3A_439 : memref<1x128x128xf32, #tpu.memory_space<vmem>> -> memref<128x128xf32, #tpu.memory_space<vmem>>
      tpu.enqueue_dma source(%dma_start3A_440 : memref<128x128xf32, #tpu.memory_space<vmem>>) target(%dma_start3A_436 : memref<128x128xf32, #tpu.memory_space<hbm>>) target_semaphore(%arg11 : memref<!tpu.dma_semaphore, #tpu.memory_space<semaphore_mem>>)
      %add3A_441 = arith.constant 2 : i32
      %add3A_442 = arith.addi %add3A_317, %add3A_441 : i32
      %lt3A_443 = arith.constant 200 : i32
      %lt3A_444 = arith.cmpi slt, %add3A_442, %lt3A_443 : i32
      %convert_element_type3A_445 = arith.extui %lt3A_444 : i1 to i32
      %cond3A_446 = arith.constant 0 : i32
      %cond3A_447 = arith.cmpi ne, %convert_element_type3A_445, %cond3A_446 : i32
      scf.if %cond3A_447 {
        %sub3A_584 = arith.constant 1 : i32
        %sub3A_585 = arith.subi %add3A_317, %sub3A_584 : i32
        %add3A_586 = arith.addi %mul3A_8, %sub3A_585 : i32
        %dma_wait3A_587 = arith.constant 1 : i32
        %dma_wait3A_588 = arith.constant 0 : i32
        %dma_wait3A_589 = arith.constant 0 : i32
        %dma_wait3A_590 = tpu.memref_slice %arg7[%dma_wait3A_587, %dma_wait3A_588, %dma_wait3A_589] : memref<3x128x128xf32, #tpu.memory_space<vmem>> -> memref<1x128x128xf32, #tpu.memory_space<vmem>>
        %dma_wait3A_591 = tpu.memref_squeeze %dma_wait3A_590 : memref<1x128x128xf32, #tpu.memory_space<vmem>> -> memref<128x128xf32, #tpu.memory_space<vmem>>
        %dma_wait3A_592 = arith.constant 0 : i32
        %dma_wait3A_593 = arith.constant 0 : i32
        %dma_wait3A_594 = tpu.memref_slice %arg4[%add3A_586, %dma_wait3A_592, %dma_wait3A_593] : memref<6400x128x128xf32, #tpu.memory_space<hbm>> -> memref<1x128x128xf32, #tpu.memory_space<hbm>>
        %dma_wait3A_595 = tpu.memref_squeeze %dma_wait3A_594 : memref<1x128x128xf32, #tpu.memory_space<hbm>> -> memref<128x128xf32, #tpu.memory_space<hbm>>
        %dma_wait3A_596 = arith.constant 0 : i32
        %dma_wait3A_597 = arith.constant 0 : i32
        %dma_wait3A_598 = tpu.memref_slice %arg4[%add3A_586, %dma_wait3A_596, %dma_wait3A_597] : memref<6400x128x128xf32, #tpu.memory_space<hbm>> -> memref<1x128x128xf32, #tpu.memory_space<hbm>>
        %dma_wait3A_599 = tpu.memref_squeeze %dma_wait3A_598 : memref<1x128x128xf32, #tpu.memory_space<hbm>> -> memref<128x128xf32, #tpu.memory_space<hbm>>
        %dma_wait3A_600 = arith.constant 0 : i32
        %dma_wait3A_601 = arith.constant 0 : i32
        %dma_wait3A_602 = tpu.memref_slice %arg7[%dma_wait3A_587, %dma_wait3A_600, %dma_wait3A_601] : memref<3x128x128xf32, #tpu.memory_space<vmem>> -> memref<1x128x128xf32, #tpu.memory_space<vmem>>
        %dma_wait3A_603 = tpu.memref_squeeze %dma_wait3A_602 : memref<1x128x128xf32, #tpu.memory_space<vmem>> -> memref<128x128xf32, #tpu.memory_space<vmem>>
        tpu.wait_dma2 semaphore(%arg10 : memref<!tpu.dma_semaphore, #tpu.memory_space<semaphore_mem>>) src(%dma_wait3A_603 : memref<128x128xf32, #tpu.memory_space<vmem>>) dst(%dma_wait3A_599 : memref<128x128xf32, #tpu.memory_space<hbm>>)
        %add3A_604 = arith.constant 2 : i32
        %add3A_605 = arith.addi %add3A_317, %add3A_604 : i32
        %jit3A_606 = arith.constant 10 : i32
        %eq3A_607 = arith.constant 0 : i32
        %eq3A_608 = arith.cmpi eq, %jit3A_606, %eq3A_607 : i32
        %jit3A_609 = arith.constant 1 : i32
        %select_n3A_610 = arith.select %eq3A_608, %jit3A_609, %jit3A_606 : i32
        %rem3A_611 = arith.remsi %add3A_605, %select_n3A_610 : i32
        %ne3A_612 = arith.constant 0 : i32
        %ne3A_613 = arith.cmpi ne, %rem3A_611, %ne3A_612 : i32
        %lt3A_614 = arith.constant 0 : i32
        %lt3A_615 = arith.cmpi slt, %rem3A_611, %lt3A_614 : i32
        %lt3A_616 = arith.constant 0 : i32
        %lt3A_617 = arith.cmpi slt, %select_n3A_610, %lt3A_616 : i32
        %ne3A_618 = arith.xori %lt3A_615, %lt3A_617 : i1
        %and3A_619 = arith.andi %ne3A_618, %ne3A_613 : i1
        %add3A_620 = arith.addi %rem3A_611, %select_n3A_610 : i32
        %select_n3A_621 = arith.select %and3A_619, %add3A_620, %rem3A_611 : i32
        %dma_start3A_622 = arith.constant 0 : i32
        %dma_start3A_623 = arith.constant 1 : i32
        %dma_start3A_624 = arith.constant 0 : i32
        %dma_start3A_625 = arith.constant 0 : i32
        %dma_start3A_626 = tpu.memref_slice %arg7[%dma_start3A_623, %dma_start3A_624, %dma_start3A_625] : memref<3x128x128xf32, #tpu.memory_space<vmem>> -> memref<1x128x128xf32, #tpu.memory_space<vmem>>
        %dma_start3A_627 = tpu.memref_squeeze %dma_start3A_626 : memref<1x128x128xf32, #tpu.memory_space<vmem>> -> memref<128x128xf32, #tpu.memory_space<vmem>>
        %dma_start3A_628 = arith.constant 0 : i32
        %dma_start3A_629 = tpu.memref_slice %arg6[%select_n3A_621, %dma_start3A_622, %dma_start3A_628] : memref<10x1x128xi32, #tpu.memory_space<vmem>> -> memref<1x1x128xi32, #tpu.memory_space<vmem>>
        %dma_start3A_630 = tpu.memref_squeeze %dma_start3A_629 : memref<1x1x128xi32, #tpu.memory_space<vmem>> -> memref<128xi32, #tpu.memory_space<vmem>>
        %dma_start3A_631 = arith.constant 0 : i32
        %dma_start3A_632 = arith.constant 0 : i32
        %dma_start3A_633 = tpu.memref_slice %arg5[%dma_start3A_631, %dma_start3A_632] : memref<10000x128xf32, #tpu.memory_space<vmem_shared>> -> memref<10000x128xf32, #tpu.memory_space<vmem_shared>>
        tpu.enqueue_indirect_dma source(%dma_start3A_633 : memref<10000x128xf32, #tpu.memory_space<vmem_shared>>) target(%dma_start3A_627 : memref<128x128xf32, #tpu.memory_space<vmem>>) offsets(%dma_start3A_630 : memref<128xi32, #tpu.memory_space<vmem>>) semaphore(%arg8 : memref<!tpu.dma_semaphore, #tpu.memory_space<semaphore_mem>>)
      } else {
      }
      %mul3A_448 = arith.constant 3 : i32
      %mul3A_449 = arith.muli %mul3A_448, %scan3A_188 : i32
      %add3A_450 = arith.constant 1 : i32
      %add3A_451 = arith.addi %add3A_450, %mul3A_449 : i32
      %add3A_452 = arith.constant 2 : i32
      %add3A_453 = arith.addi %add3A_451, %add3A_452 : i32
      %jit3A_454 = arith.constant 5 : i32
      %div3A_455 = arith.divsi %add3A_453, %jit3A_454 : i32
      %sign3A_456 = arith.constant 0 : i32
      %sign3A_457 = arith.cmpi sgt, %add3A_453, %sign3A_456 : i32
      %sign3A_458 = arith.extui %sign3A_457 : i1 to i32
      %sign3A_459 = arith.constant 0 : i32
      %sign3A_460 = arith.cmpi slt, %add3A_453, %sign3A_459 : i32
      %sign3A_461 = arith.extui %sign3A_460 : i1 to i32
      %sign3A_462 = arith.subi %sign3A_458, %sign3A_461 : i32
      %sign3A_463 = arith.constant 0 : i32
      %sign3A_464 = arith.cmpi sgt, %jit3A_454, %sign3A_463 : i32
      %sign3A_465 = arith.extui %sign3A_464 : i1 to i32
      %sign3A_466 = arith.constant 0 : i32
      %sign3A_467 = arith.cmpi slt, %jit3A_454, %sign3A_466 : i32
      %sign3A_468 = arith.extui %sign3A_467 : i1 to i32
      %sign3A_469 = arith.subi %sign3A_465, %sign3A_468 : i32
      %ne3A_470 = arith.cmpi ne, %sign3A_462, %sign3A_469 : i32
      %rem3A_471 = arith.remsi %add3A_453, %jit3A_454 : i32
      %ne3A_472 = arith.constant 0 : i32
      %ne3A_473 = arith.cmpi ne, %rem3A_471, %ne3A_472 : i32
      %and3A_474 = arith.andi %ne3A_470, %ne3A_473 : i1
      %sub3A_475 = arith.constant 1 : i32
      %sub3A_476 = arith.subi %div3A_455, %sub3A_475 : i32
      %select_n3A_477 = arith.select %and3A_474, %sub3A_476, %div3A_455 : i32
      %jit3A_478 = arith.constant 5 : i32
      %eq3A_479 = arith.constant 0 : i32
      %eq3A_480 = arith.cmpi eq, %jit3A_478, %eq3A_479 : i32
      %jit3A_481 = arith.constant 1 : i32
      %select_n3A_482 = arith.select %eq3A_480, %jit3A_481, %jit3A_478 : i32
      %rem3A_483 = arith.remsi %add3A_453, %select_n3A_482 : i32
      %ne3A_484 = arith.constant 0 : i32
      %ne3A_485 = arith.cmpi ne, %rem3A_483, %ne3A_484 : i32
      %lt3A_486 = arith.constant 0 : i32
      %lt3A_487 = arith.cmpi slt, %rem3A_483, %lt3A_486 : i32
      %lt3A_488 = arith.constant 0 : i32
      %lt3A_489 = arith.cmpi slt, %select_n3A_482, %lt3A_488 : i32
      %ne3A_490 = arith.xori %lt3A_487, %lt3A_489 : i1
      %and3A_491 = arith.andi %ne3A_490, %ne3A_485 : i1
      %add3A_492 = arith.addi %rem3A_483, %select_n3A_482 : i32
      %select_n3A_493 = arith.select %and3A_491, %add3A_492, %rem3A_483 : i32
      %eq3A_494 = arith.constant 0 : i32
      %eq3A_495 = arith.cmpi eq, %select_n3A_493, %eq3A_494 : i32
      %gt3A_496 = arith.constant 0 : i32
      %gt3A_497 = arith.cmpi sgt, %add3A_453, %gt3A_496 : i32
      %lt3A_498 = arith.constant 39 : i32
      %lt3A_499 = arith.cmpi slt, %select_n3A_477, %lt3A_498 : i32
      %and3A_500 = arith.andi %gt3A_497, %lt3A_499 : i1
      %and3A_501 = arith.andi %eq3A_495, %and3A_500 : i1
      %convert_element_type3A_502 = arith.extui %and3A_501 : i1 to i32
      %cond3A_503 = arith.constant 0 : i32
      %cond3A_504 = arith.cmpi ne, %convert_element_type3A_502, %cond3A_503 : i32
      scf.if %cond3A_504 {
        %add3A_584 = arith.constant 1 : i32
        %add3A_585 = arith.addi %select_n3A_477, %add3A_584 : i32
        %mul3A_586 = arith.constant 5 : i32
        %mul3A_587 = arith.muli %add3A_585, %mul3A_586 : i32
        %add3A_588 = arith.addi %mul3A_6, %mul3A_587 : i32
        %jit3A_589 = arith.constant 2 : i32
        %eq3A_590 = arith.constant 0 : i32
        %eq3A_591 = arith.cmpi eq, %jit3A_589, %eq3A_590 : i32
        %jit3A_592 = arith.constant 1 : i32
        %select_n3A_593 = arith.select %eq3A_591, %jit3A_592, %jit3A_589 : i32
        %rem3A_594 = arith.remsi %add3A_585, %select_n3A_593 : i32
        %ne3A_595 = arith.constant 0 : i32
        %ne3A_596 = arith.cmpi ne, %rem3A_594, %ne3A_595 : i32
        %lt3A_597 = arith.constant 0 : i32
        %lt3A_598 = arith.cmpi slt, %rem3A_594, %lt3A_597 : i32
        %lt3A_599 = arith.constant 0 : i32
        %lt3A_600 = arith.cmpi slt, %select_n3A_593, %lt3A_599 : i32
        %ne3A_601 = arith.xori %lt3A_598, %lt3A_600 : i1
        %and3A_602 = arith.andi %ne3A_601, %ne3A_596 : i1
        %add3A_603 = arith.addi %rem3A_594, %select_n3A_593 : i32
        %select_n3A_604 = arith.select %and3A_602, %add3A_603, %rem3A_594 : i32
        %mul3A_605 = arith.constant 5 : i32
        %mul3A_606 = arith.muli %select_n3A_604, %mul3A_605 : i32
        %dma_start3A_607 = arith.constant 0 : i32
        %dma_start3A_608 = arith.constant 0 : i32
        %dma_start3A_609 = tpu.memref_slice %arg6[%mul3A_606, %dma_start3A_607, %dma_start3A_608] : memref<10x1x128xi32, #tpu.memory_space<vmem>> -> memref<5x1x128xi32, #tpu.memory_space<vmem>>
        %dma_start3A_610 = arith.constant 0 : i32
        %dma_start3A_611 = arith.constant 0 : i32
        %dma_start3A_612 = tpu.memref_slice %arg2[%add3A_588, %dma_start3A_610, %dma_start3A_611] : memref<6400x1x128xi32, #tpu.memory_space<hbm>> -> memref<5x1x128xi32, #tpu.memory_space<hbm>>
        %dma_start3A_613 = arith.constant 0 : i32
        %dma_start3A_614 = arith.constant 0 : i32
        %dma_start3A_615 = tpu.memref_slice %arg6[%mul3A_606, %dma_start3A_613, %dma_start3A_614] : memref<10x1x128xi32, #tpu.memory_space<vmem>> -> memref<5x1x128xi32, #tpu.memory_space<vmem>>
        %dma_start3A_616 = arith.constant 0 : i32
        %dma_start3A_617 = arith.constant 0 : i32
        %dma_start3A_618 = tpu.memref_slice %arg2[%add3A_588, %dma_start3A_616, %dma_start3A_617] : memref<6400x1x128xi32, #tpu.memory_space<hbm>> -> memref<5x1x128xi32, #tpu.memory_space<hbm>>
        tpu.enqueue_dma source(%dma_start3A_618 : memref<5x1x128xi32, #tpu.memory_space<hbm>>) target(%dma_start3A_615 : memref<5x1x128xi32, #tpu.memory_space<vmem>>) target_semaphore(%arg12 : memref<!tpu.dma_semaphore, #tpu.memory_space<semaphore_mem>>)
      } else {
      }
      %jit3A_505 = arith.constant 5 : i32
      %eq3A_506 = arith.constant 0 : i32
      %eq3A_507 = arith.cmpi eq, %jit3A_505, %eq3A_506 : i32
      %jit3A_508 = arith.constant 1 : i32
      %select_n3A_509 = arith.select %eq3A_507, %jit3A_508, %jit3A_505 : i32
      %rem3A_510 = arith.remsi %add3A_453, %select_n3A_509 : i32
      %ne3A_511 = arith.constant 0 : i32
      %ne3A_512 = arith.cmpi ne, %rem3A_510, %ne3A_511 : i32
      %lt3A_513 = arith.constant 0 : i32
      %lt3A_514 = arith.cmpi slt, %rem3A_510, %lt3A_513 : i32
      %lt3A_515 = arith.constant 0 : i32
      %lt3A_516 = arith.cmpi slt, %select_n3A_509, %lt3A_515 : i32
      %ne3A_517 = arith.xori %lt3A_514, %lt3A_516 : i1
      %and3A_518 = arith.andi %ne3A_517, %ne3A_512 : i1
      %add3A_519 = arith.addi %rem3A_510, %select_n3A_509 : i32
      %select_n3A_520 = arith.select %and3A_518, %add3A_519, %rem3A_510 : i32
      %eq3A_521 = arith.constant 3 : i32
      %eq3A_522 = arith.cmpi eq, %select_n3A_520, %eq3A_521 : i32
      %add3A_523 = arith.constant 2 : i32
      %add3A_524 = arith.addi %add3A_453, %add3A_523 : i32
      %lt3A_525 = arith.constant 200 : i32
      %lt3A_526 = arith.cmpi slt, %add3A_524, %lt3A_525 : i32
      %and3A_527 = arith.andi %eq3A_522, %lt3A_526 : i1
      %convert_element_type3A_528 = arith.extui %and3A_527 : i1 to i32
      %cond3A_529 = arith.constant 0 : i32
      %cond3A_530 = arith.cmpi ne, %convert_element_type3A_528, %cond3A_529 : i32
      scf.if %cond3A_530 {
        %add3A_584 = arith.constant 2 : i32
        %add3A_585 = arith.addi %add3A_453, %add3A_584 : i32
        %jit3A_586 = arith.constant 5 : i32
        %div3A_587 = arith.divsi %add3A_585, %jit3A_586 : i32
        %sign3A_588 = arith.constant 0 : i32
        %sign3A_589 = arith.cmpi sgt, %add3A_585, %sign3A_588 : i32
        %sign3A_590 = arith.extui %sign3A_589 : i1 to i32
        %sign3A_591 = arith.constant 0 : i32
        %sign3A_592 = arith.cmpi slt, %add3A_585, %sign3A_591 : i32
        %sign3A_593 = arith.extui %sign3A_592 : i1 to i32
        %sign3A_594 = arith.subi %sign3A_590, %sign3A_593 : i32
        %sign3A_595 = arith.constant 0 : i32
        %sign3A_596 = arith.cmpi sgt, %jit3A_586, %sign3A_595 : i32
        %sign3A_597 = arith.extui %sign3A_596 : i1 to i32
        %sign3A_598 = arith.constant 0 : i32
        %sign3A_599 = arith.cmpi slt, %jit3A_586, %sign3A_598 : i32
        %sign3A_600 = arith.extui %sign3A_599 : i1 to i32
        %sign3A_601 = arith.subi %sign3A_597, %sign3A_600 : i32
        %ne3A_602 = arith.cmpi ne, %sign3A_594, %sign3A_601 : i32
        %rem3A_603 = arith.remsi %add3A_585, %jit3A_586 : i32
        %ne3A_604 = arith.constant 0 : i32
        %ne3A_605 = arith.cmpi ne, %rem3A_603, %ne3A_604 : i32
        %and3A_606 = arith.andi %ne3A_602, %ne3A_605 : i1
        %sub3A_607 = arith.constant 1 : i32
        %sub3A_608 = arith.subi %div3A_587, %sub3A_607 : i32
        %select_n3A_609 = arith.select %and3A_606, %sub3A_608, %div3A_587 : i32
        %mul3A_610 = arith.constant 5 : i32
        %mul3A_611 = arith.muli %select_n3A_609, %mul3A_610 : i32
        %add3A_612 = arith.addi %mul3A_6, %mul3A_611 : i32
        %jit3A_613 = arith.constant 2 : i32
        %eq3A_614 = arith.constant 0 : i32
        %eq3A_615 = arith.cmpi eq, %jit3A_613, %eq3A_614 : i32
        %jit3A_616 = arith.constant 1 : i32
        %select_n3A_617 = arith.select %eq3A_615, %jit3A_616, %jit3A_613 : i32
        %rem3A_618 = arith.remsi %select_n3A_609, %select_n3A_617 : i32
        %ne3A_619 = arith.constant 0 : i32
        %ne3A_620 = arith.cmpi ne, %rem3A_618, %ne3A_619 : i32
        %lt3A_621 = arith.constant 0 : i32
        %lt3A_622 = arith.cmpi slt, %rem3A_618, %lt3A_621 : i32
        %lt3A_623 = arith.constant 0 : i32
        %lt3A_624 = arith.cmpi slt, %select_n3A_617, %lt3A_623 : i32
        %ne3A_625 = arith.xori %lt3A_622, %lt3A_624 : i1
        %and3A_626 = arith.andi %ne3A_625, %ne3A_620 : i1
        %add3A_627 = arith.addi %rem3A_618, %select_n3A_617 : i32
        %select_n3A_628 = arith.select %and3A_626, %add3A_627, %rem3A_618 : i32
        %mul3A_629 = arith.constant 5 : i32
        %mul3A_630 = arith.muli %select_n3A_628, %mul3A_629 : i32
        %dma_wait3A_631 = arith.constant 0 : i32
        %dma_wait3A_632 = arith.constant 0 : i32
        %dma_wait3A_633 = tpu.memref_slice %arg6[%mul3A_630, %dma_wait3A_631, %dma_wait3A_632] : memref<10x1x128xi32, #tpu.memory_space<vmem>> -> memref<5x1x128xi32, #tpu.memory_space<vmem>>
        %dma_wait3A_634 = arith.constant 0 : i32
        %dma_wait3A_635 = arith.constant 0 : i32
        %dma_wait3A_636 = tpu.memref_slice %arg2[%add3A_612, %dma_wait3A_634, %dma_wait3A_635] : memref<6400x1x128xi32, #tpu.memory_space<hbm>> -> memref<5x1x128xi32, #tpu.memory_space<hbm>>
        %dma_wait3A_637 = arith.constant 0 : i32
        %dma_wait3A_638 = arith.constant 0 : i32
        %dma_wait3A_639 = tpu.memref_slice %arg6[%mul3A_630, %dma_wait3A_637, %dma_wait3A_638] : memref<10x1x128xi32, #tpu.memory_space<vmem>> -> memref<5x1x128xi32, #tpu.memory_space<vmem>>
        %dma_wait3A_640 = arith.constant 0 : i32
        %dma_wait3A_641 = arith.constant 0 : i32
        %dma_wait3A_642 = tpu.memref_slice %arg2[%add3A_612, %dma_wait3A_640, %dma_wait3A_641] : memref<6400x1x128xi32, #tpu.memory_space<hbm>> -> memref<5x1x128xi32, #tpu.memory_space<hbm>>
        tpu.wait_dma2 semaphore(%arg12 : memref<!tpu.dma_semaphore, #tpu.memory_space<semaphore_mem>>) src(%dma_wait3A_642 : memref<5x1x128xi32, #tpu.memory_space<hbm>>) dst(%dma_wait3A_639 : memref<5x1x128xi32, #tpu.memory_space<vmem>>)
      } else {
      }
      %jit3A_531 = arith.constant 10 : i32
      %eq3A_532 = arith.constant 0 : i32
      %eq3A_533 = arith.cmpi eq, %jit3A_531, %eq3A_532 : i32
      %jit3A_534 = arith.constant 1 : i32
      %select_n3A_535 = arith.select %eq3A_533, %jit3A_534, %jit3A_531 : i32
      %rem3A_536 = arith.remsi %add3A_453, %select_n3A_535 : i32
      %ne3A_537 = arith.constant 0 : i32
      %ne3A_538 = arith.cmpi ne, %rem3A_536, %ne3A_537 : i32
      %lt3A_539 = arith.constant 0 : i32
      %lt3A_540 = arith.cmpi slt, %rem3A_536, %lt3A_539 : i32
      %lt3A_541 = arith.constant 0 : i32
      %lt3A_542 = arith.cmpi slt, %select_n3A_535, %lt3A_541 : i32
      %ne3A_543 = arith.xori %lt3A_540, %lt3A_542 : i1
      %and3A_544 = arith.andi %ne3A_543, %ne3A_538 : i1
      %add3A_545 = arith.addi %rem3A_536, %select_n3A_535 : i32
      %select_n3A_546 = arith.select %and3A_544, %add3A_545, %rem3A_536 : i32
      %dma_wait3A_547 = arith.constant 0 : i32
      %dma_wait3A_548 = arith.constant 0 : i32
      %dma_wait3A_549 = arith.constant 0 : i32
      %dma_wait3A_550 = arith.constant 0 : i32
      %dma_wait3A_551 = tpu.memref_slice %arg7[%dma_wait3A_548, %dma_wait3A_549, %dma_wait3A_550] : memref<3x128x128xf32, #tpu.memory_space<vmem>> -> memref<1x128x128xf32, #tpu.memory_space<vmem>>
      %dma_wait3A_552 = tpu.memref_squeeze %dma_wait3A_551 : memref<1x128x128xf32, #tpu.memory_space<vmem>> -> memref<128x128xf32, #tpu.memory_space<vmem>>
      %dma_wait3A_553 = arith.constant 0 : i32
      %dma_wait3A_554 = tpu.memref_slice %arg6[%select_n3A_546, %dma_wait3A_547, %dma_wait3A_553] : memref<10x1x128xi32, #tpu.memory_space<vmem>> -> memref<1x1x128xi32, #tpu.memory_space<vmem>>
      %dma_wait3A_555 = tpu.memref_squeeze %dma_wait3A_554 : memref<1x1x128xi32, #tpu.memory_space<vmem>> -> memref<128xi32, #tpu.memory_space<vmem>>
      %dma_wait3A_556 = arith.constant 0 : i32
      %dma_wait3A_557 = arith.constant 0 : i32
      %dma_wait3A_558 = tpu.memref_slice %arg5[%dma_wait3A_556, %dma_wait3A_557] : memref<10000x128xf32, #tpu.memory_space<vmem_shared>> -> memref<10000x128xf32, #tpu.memory_space<vmem_shared>>
      tpu.wait_indirect_dma semaphore(%arg8 : memref<!tpu.dma_semaphore, #tpu.memory_space<semaphore_mem>>) src(%dma_wait3A_558 : memref<10000x128xf32, #tpu.memory_space<vmem_shared>>) dst(%dma_wait3A_552 : memref<128x128xf32, #tpu.memory_space<vmem>>)
      %add3A_559 = arith.addi %mul3A_8, %add3A_453 : i32
      %dma_start3A_560 = arith.constant 0 : i32
      %dma_start3A_561 = arith.constant 0 : i32
      %dma_start3A_562 = arith.constant 0 : i32
      %dma_start3A_563 = tpu.memref_slice %arg7[%dma_start3A_560, %dma_start3A_561, %dma_start3A_562] : memref<3x128x128xf32, #tpu.memory_space<vmem>> -> memref<1x128x128xf32, #tpu.memory_space<vmem>>
      %dma_start3A_564 = tpu.memref_squeeze %dma_start3A_563 : memref<1x128x128xf32, #tpu.memory_space<vmem>> -> memref<128x128xf32, #tpu.memory_space<vmem>>
      %dma_start3A_565 = arith.constant 0 : i32
      %dma_start3A_566 = arith.constant 0 : i32
      %dma_start3A_567 = tpu.memref_slice %arg4[%add3A_559, %dma_start3A_565, %dma_start3A_566] : memref<6400x128x128xf32, #tpu.memory_space<hbm>> -> memref<1x128x128xf32, #tpu.memory_space<hbm>>
      %dma_start3A_568 = tpu.memref_squeeze %dma_start3A_567 : memref<1x128x128xf32, #tpu.memory_space<hbm>> -> memref<128x128xf32, #tpu.memory_space<hbm>>
      %dma_start3A_569 = arith.constant 0 : i32
      %dma_start3A_570 = arith.constant 0 : i32
      %dma_start3A_571 = tpu.memref_slice %arg4[%add3A_559, %dma_start3A_569, %dma_start3A_570] : memref<6400x128x128xf32, #tpu.memory_space<hbm>> -> memref<1x128x128xf32, #tpu.memory_space<hbm>>
      %dma_start3A_572 = tpu.memref_squeeze %dma_start3A_571 : memref<1x128x128xf32, #tpu.memory_space<hbm>> -> memref<128x128xf32, #tpu.memory_space<hbm>>
      %dma_start3A_573 = arith.constant 0 : i32
      %dma_start3A_574 = arith.constant 0 : i32
      %dma_start3A_575 = tpu.memref_slice %arg7[%dma_start3A_560, %dma_start3A_573, %dma_start3A_574] : memref<3x128x128xf32, #tpu.memory_space<vmem>> -> memref<1x128x128xf32, #tpu.memory_space<vmem>>
      %dma_start3A_576 = tpu.memref_squeeze %dma_start3A_575 : memref<1x128x128xf32, #tpu.memory_space<vmem>> -> memref<128x128xf32, #tpu.memory_space<vmem>>
      tpu.enqueue_dma source(%dma_start3A_576 : memref<128x128xf32, #tpu.memory_space<vmem>>) target(%dma_start3A_572 : memref<128x128xf32, #tpu.memory_space<hbm>>) target_semaphore(%arg9 : memref<!tpu.dma_semaphore, #tpu.memory_space<semaphore_mem>>)
      %add3A_577 = arith.constant 2 : i32
      %add3A_578 = arith.addi %add3A_453, %add3A_577 : i32
      %lt3A_579 = arith.constant 200 : i32
      %lt3A_580 = arith.cmpi slt, %add3A_578, %lt3A_579 : i32
      %convert_element_type3A_581 = arith.extui %lt3A_580 : i1 to i32
      %cond3A_582 = arith.constant 0 : i32
      %cond3A_583 = arith.cmpi ne, %convert_element_type3A_581, %cond3A_582 : i32
      scf.if %cond3A_583 {
        %sub3A_584 = arith.constant 1 : i32
        %sub3A_585 = arith.subi %add3A_453, %sub3A_584 : i32
        %add3A_586 = arith.addi %mul3A_8, %sub3A_585 : i32
        %dma_wait3A_587 = arith.constant 2 : i32
        %dma_wait3A_588 = arith.constant 0 : i32
        %dma_wait3A_589 = arith.constant 0 : i32
        %dma_wait3A_590 = tpu.memref_slice %arg7[%dma_wait3A_587, %dma_wait3A_588, %dma_wait3A_589] : memref<3x128x128xf32, #tpu.memory_space<vmem>> -> memref<1x128x128xf32, #tpu.memory_space<vmem>>
        %dma_wait3A_591 = tpu.memref_squeeze %dma_wait3A_590 : memref<1x128x128xf32, #tpu.memory_space<vmem>> -> memref<128x128xf32, #tpu.memory_space<vmem>>
        %dma_wait3A_592 = arith.constant 0 : i32
        %dma_wait3A_593 = arith.constant 0 : i32
        %dma_wait3A_594 = tpu.memref_slice %arg4[%add3A_586, %dma_wait3A_592, %dma_wait3A_593] : memref<6400x128x128xf32, #tpu.memory_space<hbm>> -> memref<1x128x128xf32, #tpu.memory_space<hbm>>
        %dma_wait3A_595 = tpu.memref_squeeze %dma_wait3A_594 : memref<1x128x128xf32, #tpu.memory_space<hbm>> -> memref<128x128xf32, #tpu.memory_space<hbm>>
        %dma_wait3A_596 = arith.constant 0 : i32
        %dma_wait3A_597 = arith.constant 0 : i32
        %dma_wait3A_598 = tpu.memref_slice %arg4[%add3A_586, %dma_wait3A_596, %dma_wait3A_597] : memref<6400x128x128xf32, #tpu.memory_space<hbm>> -> memref<1x128x128xf32, #tpu.memory_space<hbm>>
        %dma_wait3A_599 = tpu.memref_squeeze %dma_wait3A_598 : memref<1x128x128xf32, #tpu.memory_space<hbm>> -> memref<128x128xf32, #tpu.memory_space<hbm>>
        %dma_wait3A_600 = arith.constant 0 : i32
        %dma_wait3A_601 = arith.constant 0 : i32
        %dma_wait3A_602 = tpu.memref_slice %arg7[%dma_wait3A_587, %dma_wait3A_600, %dma_wait3A_601] : memref<3x128x128xf32, #tpu.memory_space<vmem>> -> memref<1x128x128xf32, #tpu.memory_space<vmem>>
        %dma_wait3A_603 = tpu.memref_squeeze %dma_wait3A_602 : memref<1x128x128xf32, #tpu.memory_space<vmem>> -> memref<128x128xf32, #tpu.memory_space<vmem>>
        tpu.wait_dma2 semaphore(%arg11 : memref<!tpu.dma_semaphore, #tpu.memory_space<semaphore_mem>>) src(%dma_wait3A_603 : memref<128x128xf32, #tpu.memory_space<vmem>>) dst(%dma_wait3A_599 : memref<128x128xf32, #tpu.memory_space<hbm>>)
        %add3A_604 = arith.constant 2 : i32
        %add3A_605 = arith.addi %add3A_453, %add3A_604 : i32
        %jit3A_606 = arith.constant 10 : i32
        %eq3A_607 = arith.constant 0 : i32
        %eq3A_608 = arith.cmpi eq, %jit3A_606, %eq3A_607 : i32
        %jit3A_609 = arith.constant 1 : i32
        %select_n3A_610 = arith.select %eq3A_608, %jit3A_609, %jit3A_606 : i32
        %rem3A_611 = arith.remsi %add3A_605, %select_n3A_610 : i32
        %ne3A_612 = arith.constant 0 : i32
        %ne3A_613 = arith.cmpi ne, %rem3A_611, %ne3A_612 : i32
        %lt3A_614 = arith.constant 0 : i32
        %lt3A_615 = arith.cmpi slt, %rem3A_611, %lt3A_614 : i32
        %lt3A_616 = arith.constant 0 : i32
        %lt3A_617 = arith.cmpi slt, %select_n3A_610, %lt3A_616 : i32
        %ne3A_618 = arith.xori %lt3A_615, %lt3A_617 : i1
        %and3A_619 = arith.andi %ne3A_618, %ne3A_613 : i1
        %add3A_620 = arith.addi %rem3A_611, %select_n3A_610 : i32
        %select_n3A_621 = arith.select %and3A_619, %add3A_620, %rem3A_611 : i32
        %dma_start3A_622 = arith.constant 0 : i32
        %dma_start3A_623 = arith.constant 2 : i32
        %dma_start3A_624 = arith.constant 0 : i32
        %dma_start3A_625 = arith.constant 0 : i32
        %dma_start3A_626 = tpu.memref_slice %arg7[%dma_start3A_623, %dma_start3A_624, %dma_start3A_625] : memref<3x128x128xf32, #tpu.memory_space<vmem>> -> memref<1x128x128xf32, #tpu.memory_space<vmem>>
        %dma_start3A_627 = tpu.memref_squeeze %dma_start3A_626 : memref<1x128x128xf32, #tpu.memory_space<vmem>> -> memref<128x128xf32, #tpu.memory_space<vmem>>
        %dma_start3A_628 = arith.constant 0 : i32
        %dma_start3A_629 = tpu.memref_slice %arg6[%select_n3A_621, %dma_start3A_622, %dma_start3A_628] : memref<10x1x128xi32, #tpu.memory_space<vmem>> -> memref<1x1x128xi32, #tpu.memory_space<vmem>>
        %dma_start3A_630 = tpu.memref_squeeze %dma_start3A_629 : memref<1x1x128xi32, #tpu.memory_space<vmem>> -> memref<128xi32, #tpu.memory_space<vmem>>
        %dma_start3A_631 = arith.constant 0 : i32
        %dma_start3A_632 = arith.constant 0 : i32
        %dma_start3A_633 = tpu.memref_slice %arg5[%dma_start3A_631, %dma_start3A_632] : memref<10000x128xf32, #tpu.memory_space<vmem_shared>> -> memref<10000x128xf32, #tpu.memory_space<vmem_shared>>
        tpu.enqueue_indirect_dma source(%dma_start3A_633 : memref<10000x128xf32, #tpu.memory_space<vmem_shared>>) target(%dma_start3A_627 : memref<128x128xf32, #tpu.memory_space<vmem>>) offsets(%dma_start3A_630 : memref<128xi32, #tpu.memory_space<vmem>>) semaphore(%arg8 : memref<!tpu.dma_semaphore, #tpu.memory_space<semaphore_mem>>)
      } else {
      }
    }
    %scan3A_98 = arith.constant 66 : i32
    %dma_wait3A_99 = arith.constant 9 : i32
    %dma_wait3A_100 = arith.constant 0 : i32
    %dma_wait3A_101 = arith.constant 1 : i32
    %dma_wait3A_102 = arith.constant 0 : i32
    %dma_wait3A_103 = arith.constant 0 : i32
    %dma_wait3A_104 = tpu.memref_slice %arg7[%dma_wait3A_101, %dma_wait3A_102, %dma_wait3A_103] : memref<3x128x128xf32, #tpu.memory_space<vmem>> -> memref<1x128x128xf32, #tpu.memory_space<vmem>>
    %dma_wait3A_105 = tpu.memref_squeeze %dma_wait3A_104 : memref<1x128x128xf32, #tpu.memory_space<vmem>> -> memref<128x128xf32, #tpu.memory_space<vmem>>
    %dma_wait3A_106 = arith.constant 0 : i32
    %dma_wait3A_107 = tpu.memref_slice %arg6[%dma_wait3A_99, %dma_wait3A_100, %dma_wait3A_106] : memref<10x1x128xi32, #tpu.memory_space<vmem>> -> memref<1x1x128xi32, #tpu.memory_space<vmem>>
    %dma_wait3A_108 = tpu.memref_squeeze %dma_wait3A_107 : memref<1x1x128xi32, #tpu.memory_space<vmem>> -> memref<128xi32, #tpu.memory_space<vmem>>
    %dma_wait3A_109 = arith.constant 0 : i32
    %dma_wait3A_110 = arith.constant 0 : i32
    %dma_wait3A_111 = tpu.memref_slice %arg5[%dma_wait3A_109, %dma_wait3A_110] : memref<10000x128xf32, #tpu.memory_space<vmem_shared>> -> memref<10000x128xf32, #tpu.memory_space<vmem_shared>>
    tpu.wait_indirect_dma semaphore(%arg8 : memref<!tpu.dma_semaphore, #tpu.memory_space<semaphore_mem>>) src(%dma_wait3A_111 : memref<10000x128xf32, #tpu.memory_space<vmem_shared>>) dst(%dma_wait3A_105 : memref<128x128xf32, #tpu.memory_space<vmem>>)
    %add3A_112 = arith.constant 199 : i32
    %add3A_113 = arith.addi %mul3A_8, %add3A_112 : i32
    %dma_start3A_114 = arith.constant 1 : i32
    %dma_start3A_115 = arith.constant 0 : i32
    %dma_start3A_116 = arith.constant 0 : i32
    %dma_start3A_117 = tpu.memref_slice %arg7[%dma_start3A_114, %dma_start3A_115, %dma_start3A_116] : memref<3x128x128xf32, #tpu.memory_space<vmem>> -> memref<1x128x128xf32, #tpu.memory_space<vmem>>
    %dma_start3A_118 = tpu.memref_squeeze %dma_start3A_117 : memref<1x128x128xf32, #tpu.memory_space<vmem>> -> memref<128x128xf32, #tpu.memory_space<vmem>>
    %dma_start3A_119 = arith.constant 0 : i32
    %dma_start3A_120 = arith.constant 0 : i32
    %dma_start3A_121 = tpu.memref_slice %arg4[%add3A_113, %dma_start3A_119, %dma_start3A_120] : memref<6400x128x128xf32, #tpu.memory_space<hbm>> -> memref<1x128x128xf32, #tpu.memory_space<hbm>>
    %dma_start3A_122 = tpu.memref_squeeze %dma_start3A_121 : memref<1x128x128xf32, #tpu.memory_space<hbm>> -> memref<128x128xf32, #tpu.memory_space<hbm>>
    %dma_start3A_123 = arith.constant 0 : i32
    %dma_start3A_124 = arith.constant 0 : i32
    %dma_start3A_125 = tpu.memref_slice %arg4[%add3A_113, %dma_start3A_123, %dma_start3A_124] : memref<6400x128x128xf32, #tpu.memory_space<hbm>> -> memref<1x128x128xf32, #tpu.memory_space<hbm>>
    %dma_start3A_126 = tpu.memref_squeeze %dma_start3A_125 : memref<1x128x128xf32, #tpu.memory_space<hbm>> -> memref<128x128xf32, #tpu.memory_space<hbm>>
    %dma_start3A_127 = arith.constant 0 : i32
    %dma_start3A_128 = arith.constant 0 : i32
    %dma_start3A_129 = tpu.memref_slice %arg7[%dma_start3A_114, %dma_start3A_127, %dma_start3A_128] : memref<3x128x128xf32, #tpu.memory_space<vmem>> -> memref<1x128x128xf32, #tpu.memory_space<vmem>>
    %dma_start3A_130 = tpu.memref_squeeze %dma_start3A_129 : memref<1x128x128xf32, #tpu.memory_space<vmem>> -> memref<128x128xf32, #tpu.memory_space<vmem>>
    tpu.enqueue_dma source(%dma_start3A_130 : memref<128x128xf32, #tpu.memory_space<vmem>>) target(%dma_start3A_126 : memref<128x128xf32, #tpu.memory_space<hbm>>) target_semaphore(%arg10 : memref<!tpu.dma_semaphore, #tpu.memory_space<semaphore_mem>>)
    %add3A_131 = arith.constant 197 : i32
    %add3A_132 = arith.addi %mul3A_8, %add3A_131 : i32
    %dma_wait3A_133 = arith.constant 2 : i32
    %dma_wait3A_134 = arith.constant 0 : i32
    %dma_wait3A_135 = arith.constant 0 : i32
    %dma_wait3A_136 = tpu.memref_slice %arg7[%dma_wait3A_133, %dma_wait3A_134, %dma_wait3A_135] : memref<3x128x128xf32, #tpu.memory_space<vmem>> -> memref<1x128x128xf32, #tpu.memory_space<vmem>>
    %dma_wait3A_137 = tpu.memref_squeeze %dma_wait3A_136 : memref<1x128x128xf32, #tpu.memory_space<vmem>> -> memref<128x128xf32, #tpu.memory_space<vmem>>
    %dma_wait3A_138 = arith.constant 0 : i32
    %dma_wait3A_139 = arith.constant 0 : i32
    %dma_wait3A_140 = tpu.memref_slice %arg4[%add3A_132, %dma_wait3A_138, %dma_wait3A_139] : memref<6400x128x128xf32, #tpu.memory_space<hbm>> -> memref<1x128x128xf32, #tpu.memory_space<hbm>>
    %dma_wait3A_141 = tpu.memref_squeeze %dma_wait3A_140 : memref<1x128x128xf32, #tpu.memory_space<hbm>> -> memref<128x128xf32, #tpu.memory_space<hbm>>
    %dma_wait3A_142 = arith.constant 0 : i32
    %dma_wait3A_143 = arith.constant 0 : i32
    %dma_wait3A_144 = tpu.memref_slice %arg4[%add3A_132, %dma_wait3A_142, %dma_wait3A_143] : memref<6400x128x128xf32, #tpu.memory_space<hbm>> -> memref<1x128x128xf32, #tpu.memory_space<hbm>>
    %dma_wait3A_145 = tpu.memref_squeeze %dma_wait3A_144 : memref<1x128x128xf32, #tpu.memory_space<hbm>> -> memref<128x128xf32, #tpu.memory_space<hbm>>
    %dma_wait3A_146 = arith.constant 0 : i32
    %dma_wait3A_147 = arith.constant 0 : i32
    %dma_wait3A_148 = tpu.memref_slice %arg7[%dma_wait3A_133, %dma_wait3A_146, %dma_wait3A_147] : memref<3x128x128xf32, #tpu.memory_space<vmem>> -> memref<1x128x128xf32, #tpu.memory_space<vmem>>
    %dma_wait3A_149 = tpu.memref_squeeze %dma_wait3A_148 : memref<1x128x128xf32, #tpu.memory_space<vmem>> -> memref<128x128xf32, #tpu.memory_space<vmem>>
    tpu.wait_dma2 semaphore(%arg11 : memref<!tpu.dma_semaphore, #tpu.memory_space<semaphore_mem>>) src(%dma_wait3A_149 : memref<128x128xf32, #tpu.memory_space<vmem>>) dst(%dma_wait3A_145 : memref<128x128xf32, #tpu.memory_space<hbm>>)
    %add3A_150 = arith.constant 198 : i32
    %add3A_151 = arith.addi %mul3A_8, %add3A_150 : i32
    %dma_wait3A_152 = arith.constant 0 : i32
    %dma_wait3A_153 = arith.constant 0 : i32
    %dma_wait3A_154 = arith.constant 0 : i32
    %dma_wait3A_155 = tpu.memref_slice %arg7[%dma_wait3A_152, %dma_wait3A_153, %dma_wait3A_154] : memref<3x128x128xf32, #tpu.memory_space<vmem>> -> memref<1x128x128xf32, #tpu.memory_space<vmem>>
    %dma_wait3A_156 = tpu.memref_squeeze %dma_wait3A_155 : memref<1x128x128xf32, #tpu.memory_space<vmem>> -> memref<128x128xf32, #tpu.memory_space<vmem>>
    %dma_wait3A_157 = arith.constant 0 : i32
    %dma_wait3A_158 = arith.constant 0 : i32
    %dma_wait3A_159 = tpu.memref_slice %arg4[%add3A_151, %dma_wait3A_157, %dma_wait3A_158] : memref<6400x128x128xf32, #tpu.memory_space<hbm>> -> memref<1x128x128xf32, #tpu.memory_space<hbm>>
    %dma_wait3A_160 = tpu.memref_squeeze %dma_wait3A_159 : memref<1x128x128xf32, #tpu.memory_space<hbm>> -> memref<128x128xf32, #tpu.memory_space<hbm>>
    %dma_wait3A_161 = arith.constant 0 : i32
    %dma_wait3A_162 = arith.constant 0 : i32
    %dma_wait3A_163 = tpu.memref_slice %arg4[%add3A_151, %dma_wait3A_161, %dma_wait3A_162] : memref<6400x128x128xf32, #tpu.memory_space<hbm>> -> memref<1x128x128xf32, #tpu.memory_space<hbm>>
    %dma_wait3A_164 = tpu.memref_squeeze %dma_wait3A_163 : memref<1x128x128xf32, #tpu.memory_space<hbm>> -> memref<128x128xf32, #tpu.memory_space<hbm>>
    %dma_wait3A_165 = arith.constant 0 : i32
    %dma_wait3A_166 = arith.constant 0 : i32
    %dma_wait3A_167 = tpu.memref_slice %arg7[%dma_wait3A_152, %dma_wait3A_165, %dma_wait3A_166] : memref<3x128x128xf32, #tpu.memory_space<vmem>> -> memref<1x128x128xf32, #tpu.memory_space<vmem>>
    %dma_wait3A_168 = tpu.memref_squeeze %dma_wait3A_167 : memref<1x128x128xf32, #tpu.memory_space<vmem>> -> memref<128x128xf32, #tpu.memory_space<vmem>>
    tpu.wait_dma2 semaphore(%arg9 : memref<!tpu.dma_semaphore, #tpu.memory_space<semaphore_mem>>) src(%dma_wait3A_168 : memref<128x128xf32, #tpu.memory_space<vmem>>) dst(%dma_wait3A_164 : memref<128x128xf32, #tpu.memory_space<hbm>>)
    %add3A_169 = arith.constant 199 : i32
    %add3A_170 = arith.addi %mul3A_8, %add3A_169 : i32
    %dma_wait3A_171 = arith.constant 1 : i32
    %dma_wait3A_172 = arith.constant 0 : i32
    %dma_wait3A_173 = arith.constant 0 : i32
    %dma_wait3A_174 = tpu.memref_slice %arg7[%dma_wait3A_171, %dma_wait3A_172, %dma_wait3A_173] : memref<3x128x128xf32, #tpu.memory_space<vmem>> -> memref<1x128x128xf32, #tpu.memory_space<vmem>>
    %dma_wait3A_175 = tpu.memref_squeeze %dma_wait3A_174 : memref<1x128x128xf32, #tpu.memory_space<vmem>> -> memref<128x128xf32, #tpu.memory_space<vmem>>
    %dma_wait3A_176 = arith.constant 0 : i32
    %dma_wait3A_177 = arith.constant 0 : i32
    %dma_wait3A_178 = tpu.memref_slice %arg4[%add3A_170, %dma_wait3A_176, %dma_wait3A_177] : memref<6400x128x128xf32, #tpu.memory_space<hbm>> -> memref<1x128x128xf32, #tpu.memory_space<hbm>>
    %dma_wait3A_179 = tpu.memref_squeeze %dma_wait3A_178 : memref<1x128x128xf32, #tpu.memory_space<hbm>> -> memref<128x128xf32, #tpu.memory_space<hbm>>
    %dma_wait3A_180 = arith.constant 0 : i32
    %dma_wait3A_181 = arith.constant 0 : i32
    %dma_wait3A_182 = tpu.memref_slice %arg4[%add3A_170, %dma_wait3A_180, %dma_wait3A_181] : memref<6400x128x128xf32, #tpu.memory_space<hbm>> -> memref<1x128x128xf32, #tpu.memory_space<hbm>>
    %dma_wait3A_183 = tpu.memref_squeeze %dma_wait3A_182 : memref<1x128x128xf32, #tpu.memory_space<hbm>> -> memref<128x128xf32, #tpu.memory_space<hbm>>
    %dma_wait3A_184 = arith.constant 0 : i32
    %dma_wait3A_185 = arith.constant 0 : i32
    %dma_wait3A_186 = tpu.memref_slice %arg7[%dma_wait3A_171, %dma_wait3A_184, %dma_wait3A_185] : memref<3x128x128xf32, #tpu.memory_space<vmem>> -> memref<1x128x128xf32, #tpu.memory_space<vmem>>
    %dma_wait3A_187 = tpu.memref_squeeze %dma_wait3A_186 : memref<1x128x128xf32, #tpu.memory_space<vmem>> -> memref<128x128xf32, #tpu.memory_space<vmem>>
    tpu.wait_dma2 semaphore(%arg10 : memref<!tpu.dma_semaphore, #tpu.memory_space<semaphore_mem>>) src(%dma_wait3A_187 : memref<128x128xf32, #tpu.memory_space<vmem>>) dst(%dma_wait3A_183 : memref<128x128xf32, #tpu.memory_space<hbm>>)
    return
  }
}

</mosaic_0001>

<sc_bundles>
// kernel: kernel.3.cloned.1.call-start
scs
__scs_entry_jumppad:
0x0: {  	(pc) =	sbr.rel $0x88, $3  }
0x1: {  	(tag) =	ssettag $0x0;
	lr =	simm.s32 $0x1  }
0x2: {  	[smem:$0x3F9F] =	sst lr;
	_ =	strace $0xD0000000  }
0x3: {  	_ = 	snop  }
0x4: {  	_ = 	snop  }
0x5: {  	_ = 	snop  }
0x6: {  	_ = 	snop  }
0x7: {  	_ = 	snop  }
__scs_overlays_trampoline_lowered:
0x8: {  	[smem:$0x3FAE] =	sst s0  }
0x9: {  	[smem:$0x3FAF] =	sst s1  }
0xa: {  	[smem:$0x3FB0] =	sst s2  }
0xb: {  	[smem:$0x3FB1] =	sst s3  }
0xc: {  	[smem:$0x3FB2] =	sst s4  }
0xd: {  	[smem:$0x3FB3] =	sst s5  }
0xe: {  	[smem:$0x3FB4] =	sst s6  }
0xf: {  	[smem:$0x3FB5] =	sst s7  }
0x10: {  	[smem:$0x3FB6] =	sst s8  }
0x11: {  	[smem:$0x3FB7] =	sst s9;
	s0 =	simm.s32 @!p0 $0x0  }
0x12: {  	s1 =	sld [smem:$0x3F9D];
	s0 =	simm.s32 @p0 $0x1  }
0x13: {  	[smem:$0x3FB8] =	sst s0;
	s0 =	simm.s32 @!p1 $0x0  }
0x14: {  	s2 =	sld [smem:$0x3F9C];
	s0 =	simm.s32 @p1 $0x1  }
0x15: {  	[smem:$0x3FB9] =	sst s0;
	s0 =	simm.s32 @!p2 $0x0  }
0x16: {  	s3 =	sld [smem:$0x3FDB];
	s0 =	simm.s32 @p2 $0x1  }
0x17: {  	s4 =	simm.s32 $0x1BF5;
	[smem:$0x3FBB] =	sst s0  }
0x18: {  	s0 =	sld [smem:$0x3F9E];
	_ =	swait.ge [sflag:s4], $0x0  }
0x19: {  	s7 =	sld [smem:$0x3F9F]  }
0x1a: {  	s8 =	sadd.s32 $0xFFFFE003, lr  }
0x1b: {  	s9 =	sadd.s32 $0xFFFFFEF7, lr;
	s5 =	simm.s32 $0xFFFFFFFF;
	p2 =	slt.u32 s8, $0xFFFFF086  }
0x1c: {  	p1 =	slt.u32 s9, $0xF7A;
	s5 =	simm.s32 @!p2 $0x0  }
0x1d: {  	s5 =	simm.s32 @p1 $0x1;
	p0 =	seq.s32 s7, s2  }
0x1e: {  	s7 =	smul.u32 @!p0 $0xF7A, s2;
	p2 =	seq.s32 @!p0 s5, $0x0  }
0x1f: {  	s9 =	smul.u32 $0xF7A, s1;
	s8 =	simm.s32 @!p0 $0x1BF5;
	p2 =	por !p2, p0  }
0x20: {  	[sflag:s8] =	ssyncset.s32 @!p0 $0xFFFFF086;
	s6 =	sadd.s32 @!p0 s3, s7;
	s7 =	simm.s32 @!p0 $0x108  }
0x21: {  	s3 =	sadd.s32 s3, s9;
	s6 =	sadd.s32 @!p0 $0x88, s6;
	s7 =	simm.s32 @p2 $0x1082  }
0x22: {  	[simem:s7], [sflag:s8] =	dma.local @!p0 [hbm:s6], $0xF7A  }
0x23: {  	s9 =	sor.u32 $0xD0000000, s2;
	s6 =	simm.s32 $0x108;
	_ =	swait.ge @!p0 [sflag:s8], $0x0  }
0x24: {  	s3 =	sadd.s32 $0x88, s3;
	s6 =	simm.s32 @!p1 $0x1082;
	[sflag:s4] =	ssyncset.s32 $0xFFFFF086  }
0x25: {  	[simem:s6], [sflag:s4] =	dma.local [hbm:s3], $0xF7A  }
0x26: {  	[smem:$0x3F9F] =	sst s1;
	(tag) =	ssettag s2;
	_ =	strace s9  }
0x27: {  	s1 =	sld [smem:$0x3FAF]  }
0x28: {  	s2 =	sld [smem:$0x3FB0]  }
0x29: {  	s4 =	sld [smem:$0x3FB2]  }
0x2a: {  	p0 =	seq.s32 s5, $0x0;
	s5 =	sld [smem:$0x3FB3]  }
0x2b: {  	s6 =	sld [smem:$0x3FB4]  }
0x2c: {  	s7 =	sld [smem:$0x3FB5]  }
0x2d: {  	s3 =	simm.s32 $0x108;
	s8 =	sld [smem:$0x3FB6]  }
0x2e: {  	s3 =	simm.s32 @!p0 $0x1082;
	s9 =	sld [smem:$0x3FB7]  }
0x2f: {  	lr =	sadd.s32 s0, s3;
	s0 =	sld [smem:$0x3FAE]  }
0x30: {  	s3 =	sld [smem:$0x3FB1]  }
0x31: {  	[smem:$0x3FBA] =	sst s10  }
0x32: {  	s10 =	sld [smem:$0x3FB8];
	_ =	sdelay $0x3  }
0x33: {  	p0 =	seq.s32 s10, $0x1;
	s10 =	sld [smem:$0x3FBA];
	_ =	sdelay $0x3  }
0x34: {  	[smem:$0x3FBA] =	sst s10  }
0x35: {  	s10 =	sld [smem:$0x3FB9];
	_ =	sdelay $0x3  }
0x36: {  	p1 =	seq.s32 s10, $0x1;
	s10 =	sld [smem:$0x3FBA];
	_ =	sdelay $0x3  }
0x37: {  	[smem:$0x3FBA] =	sst s10  }
0x38: {  	s10 =	sld [smem:$0x3FBB]  }
0x39: {  	_ = 	snop;
	(pc) =	sbr.ind lr, $3  }
0x3a: {  	_ = 	snop  }
0x3b: {  	_ = 	snop  }
0x3c: {  	p2 =	seq.s32 s10, $0x1;
	s10 =	sld [smem:$0x3FBA]  }
0x3d: {  	_ =	shalt  }
0x3e: {  	_ =	shalt  }
0x3f: {  	_ =	shalt  }
0x40: {  	_ =	shalt  }
0x41: {  	_ =	shalt  }
0x42: {  	_ =	shalt  }
0x43: {  	_ =	shalt  }
0x44: {  	_ =	shalt  }
0x45: {  	_ =	shalt  }
0x46: {  	_ =	shalt  }
0x47: {  	_ =	shalt  }
0x48: {  	_ =	shalt  }
0x49: {  	_ =	shalt  }
0x4a: {  	_ =	shalt  }
0x4b: {  	_ =	shalt  }
0x4c: {  	_ =	shalt  }
0x4d: {  	_ =	shalt  }
0x4e: {  	_ =	shalt  }
0x4f: {  	_ =	shalt  }
0x50: {  	_ =	shalt  }
0x51: {  	_ =	shalt  }
0x52: {  	_ =	shalt  }
0x53: {  	_ =	shalt  }
0x54: {  	_ =	shalt  }
0x55: {  	_ =	shalt  }
0x56: {  	_ =	shalt  }
0x57: {  	_ =	shalt  }
0x58: {  	_ =	shalt  }
0x59: {  	_ =	shalt  }
0x5a: {  	_ =	shalt  }
0x5b: {  	_ =	shalt  }
0x5c: {  	_ =	shalt  }
0x5d: {  	_ =	shalt  }
0x5e: {  	_ =	shalt  }
0x5f: {  	_ =	shalt  }
0x60: {  	_ =	shalt  }
0x61: {  	_ =	shalt  }
0x62: {  	_ =	shalt  }
0x63: {  	_ =	shalt  }
0x64: {  	_ =	shalt  }
0x65: {  	_ =	shalt  }
0x66: {  	_ =	shalt  }
0x67: {  	_ =	shalt  }
0x68: {  	_ =	shalt  }
0x69: {  	_ =	shalt  }
0x6a: {  	_ =	shalt  }
0x6b: {  	_ =	shalt  }
0x6c: {  	_ =	shalt  }
0x6d: {  	_ =	shalt  }
0x6e: {  	_ =	shalt  }
0x6f: {  	_ =	shalt  }
0x70: {  	_ =	shalt  }
0x71: {  	_ =	shalt  }
0x72: {  	_ =	shalt  }
0x73: {  	_ =	shalt  }
0x74: {  	_ =	shalt  }
0x75: {  	_ =	shalt  }
0x76: {  	_ =	shalt  }
0x77: {  	_ =	shalt  }
0x78: {  	_ =	shalt  }
0x79: {  	_ =	shalt  }
0x7a: {  	_ =	shalt  }
0x7b: {  	_ =	shalt  }
0x7c: {  	_ =	shalt  }
0x7d: {  	_ =	shalt  }
0x7e: {  	_ =	shalt  }
0x7f: {  	_ =	shalt  }
0x80: {  	_ =	shalt  }
0x81: {  	_ =	shalt  }
0x82: {  	_ =	shalt  }
0x83: {  	_ =	shalt  }
0x84: {  	_ =	shalt  }
0x85: {  	_ =	shalt  }
0x86: {  	_ =	shalt  }
0x87: {  	_ =	shalt  }
.Lfunc_end0:
.L_simem_size_0:
called_computation_lowered:
.L_overlay_start_0:
0x88: {  	s2 =	sld [smem:$0x3FD9]  }
0x89: {  	s3 =	sld [smem:$0x3FFE];
	_ =	sdelay $0x1  }
0x8a: {  	s1 =	srdreg.scid  }
0x8b: {  	s0 =	sand.u32 $0x1, s1  }
0x8c: {  	s17 =	sshll.u32 s0, $0xA;
	s2 =	sadd.s32 s3, s2  }
0x8d: {  	s2 =	sadd.s32 s2, s17  }
0x8e: {  	[smem:$0x3FC6] =	sst s2  }
0x8f: {  	_ = 	snop  }
0x90: {  	s2 =	sld [smem:$0x3FC8]  }
0x91: {  	s18 =	sld [smem:$0x3FD0];
	(tm) =	ssettm $0x1  }
0x92: {  	s4 =	sld [smem:$0x3FFB];
	_ =	sdelay $0x3  }
0x93: {  	_ =	strace s4  }
0x94: {  	s4 =	sld [smem:$0x3FFC];
	_ =	sdelay $0x3  }
0x95: {  	_ =	strace s4  }
0x96: {  	s4 =	sld [smem:$0x3FFD];
	_ =	sdelay $0x3  }
0x97: {  	_ =	strace s4  }
0x98: {  	_ =	strace $0x8FFFFFFF  }
0x99: {  	s19 =	sld [smem:$0x3FDB];
	_ =	sdelay $0x1  }
0x9a: {  	s5 =	simm.s32 $_scs_section_size  }
0x9b: {  	s6 =	simm.s32 $_size__tile_overlayer_lowered;
	s7 =	simm.s32 $_tile_overlayer_lowered  }
0x9c: {  	s22 =	simm.s32 $0x1BFF;
	s21 =	sshll.u32 s7, $0x1;
	s4 =	sadd.s32 s5, s19  }
0x9d: {  	s8 =	simm.s32 $0x0;
	s20 =	sshll.u32 s6, $0x1;
	s6 =	sadd.s32 s21, s4  }
0x9e: {  	[timem:s8], [sflag:s22] =	dma.local [hbm:s6], s20  }
0x9f: {  	_ =	swait.ge [sflag:s22], s20  }
0xa0: {  	s5 =	ssub.s32 $0x0, s20;
	[sflag:s22] =	ssyncset.done $0x0  }
0xa1: {  	[sflag:s22] =	ssyncadd.s32 s5;
	_ =	sdelay $0x1  }
0xa2: {  	s23 =	simm.s32 $0x1B8B  }
0xa3: {  	_ =	swait.ge [sflag:s23], $0x1  }
0xa4: {  	[sflag:s23] =	ssyncset.done $0x0  }
0xa5: {  	s25 =	simm.s32 $0x1B8E;
	s24 =	sld [smem:$0x3FFE];
	[sflag:s23] =	ssyncadd.s32 $0xFFFFFFFF  }
0xa6: {  	s26 =	simm.s32 $execute0_lowered;
	[smem:$0x3FD2] =	sst s25  }
0xa7: {  	s6 =	sshll.u32 s26, $0x1;
	_ =	strace $0x80000046;
	[dreg:$0x1] =	wrdreg $0xFFFFFFFF  }
0xa8: {  	s28 =	simm.s32 $_size_execute0_lowered;
	s4 =	sadd.s32 s4, s6;
	[dreg:$0x0] =	wrdreg $0x0  }
0xa9: {  	s6 =	sshll.u32 s28, $0x1;
	[dreg:$0x2] =	wrdreg s4  }
0xaa: {  	[dreg:$0x3] =	wrdreg s6  }
0xab: {  	[dreg:$0x4] =	wrdreg $0xC0  }
0xac: {  	_ =	task [dreg:s8], $0x5FFFF  }
0xad: {  	[dreg:$0x1] =	wrdreg $0xFFFFFFFF  }
0xae: {  	[dreg:$0x0] =	wrdreg $0x60  }
0xaf: {  	[dreg:$0x2] =	wrdreg s24  }
0xb0: {  	[dreg:$0x3] =	wrdreg s2  }
0xb1: {  	[dreg:$0x4] =	wrdreg s18  }
0xb2: {  	[dreg:$0x5] =	wrdreg $0x0  }
0xb3: {  	[dreg:$0x6] =	wrdreg $0x9  }
0xb4: {  	_ =	task.clear_ibuf [dreg:s8], $0x7FFFF;
	_ =	strace $0x90000046  }
0xb5: {  	s29 =	simm.s32 $0x9;
	_ =	strace $0x80000048  }
0xb6: {  	_ =	swait.ge [sflag:s29], $0x1  }
0xb7: {  	[sflag:s29] =	ssyncadd.s32 $0xFFFFFFFF  }
0xb8: {  	_ =	strace $0x90000048  }
0xb9: {  	_ =	sfence  }
0xba: {  	s30 =	sld [smem:$0x0];
	_ =	sdelay $0x2  }
0xbb: {  	s31 =	sshll.u32 s1, $0xD;
	s1 =	sshrl.u32 s1, $0x2  }
0xbc: {  	s3 =	sand.u32 $0x4000, s31;
	s1 =	sadd.s32 s1, s30  }
0xbd: {  	s0 =	sor.u32 s3, s0;
	s1 =	sshll.u32 s1, $0x11  }
0xbe: {  	s0 =	sor.u32 s1, s0  }
0xbf: {  	s0 =	sadd.s32 $0x8F2B, s0  }
0xc0: {  	[sflag:s0] =	ssyncadd.remote.s32 $0x1  }
0xc1: {  	_ =	sfence.sel $0xFFFF  }
0xc2: {  	[dreg:$0x0] =	wrdreg $0xFFFFFFFF;
	(pc) =	sbr.abs _section_cstart, $3  }
0xc3: {  	[dreg:$0x1] =	wrdreg $0xFFFFFFFF  }
0xc4: {  	_ =	task.clear_ibuf [dreg:s8], $0x2FFFF;
	_ =	strace $0x9FFFFFFF  }
0xc5: {  	(tm) =	ssettm $0x7FFFFFFF  }
tec
execute0_lowered:
.L_overlay_start_1:
0x0: {  	(tag) =	ssettag $0x1  }
0x1: {  	s0 =	rddreg [dreg:$0x0]  }
0x2: {  	s1 =	rddreg [dreg:$0x1]  }
0x3: {  	s11 =	rddreg [dreg:$0x2]  }
0x4: {  	s2 =	rddreg [dreg:$0x3]  }
0x5: {  	s3 =	simm.s32 $0x0;
	s4 =	srdreg.scid;
	s13 =	stileid.u32  }
0x6: {  	s15 =	simm.s32 $0x6;
	s16 =	simm.s32 $0x13880;
	s18 =	simm.s32 $0x80  }
0x7: {  	s19 =	simm.s32 $0x13D80;
	s28 =	simm.s32 $0x4;
	s29 =	simm.s32 $0x0  }
0x8: {  	s6 =	sand.u32 $0x1, s4;
	s21 =	sshll.u32 s13, $0x1;
	s7 =	smul.u32 $0x4E000, s13  }
0x9: {  	[smem:$0x7FF] =	sst s3;
	s8 =	smul.u32 $0x2700, s13;
	s5 =	sadd.s32 $0x400, s0  }
0xa: {  	s23 =	smul.u32 $0x190, s13;
	s24 =	sshll.u32 s13, $0x6;
	s9 =	sor.u32 s6, s21  }
0xb: {  	_ =	strace $0x80000047;
	s10 =	ssub.s32 $0x2, s6;
	s25 =	smul.u32 $0xC8, s6  }
0xc: {  	s26 =	sor.u32 $0x1C06, s24;
	s21 =	simm.s32 $0x17D80;
	s4 =	smul.u32 $0xC8, s9  }
0xd: {  	s24 =	simm.s32 $0x1BD80;
	s22 =	sshrl.u32 s10, $0x1;
	s12 =	smul.u32 $0xC80, s9  }
0xe: {  	s7 =	sshrl.u32 s7, $0x2;
	s1 =	sadd.s32 s1, s8;
	s30 =	smul.u32 $0x320000, s9  }
0xf: {  	[dreg:$0x6] =	wrdreg s26;
	s31 =	smul.u32 $0x64000, s9;
	s26 =	simm.s32 $0x3  }
0x10: {  	s0 =	ssub.s32 s10, s22;
	s14 =	sadd.s32 s7, s2;
	[dreg:$0x5] =	wrdreg s1  }
.Ltmp0:
0x11: {  	s10 =	sadd.s32 s25, s23;
	s22 =	simm.s32 $0x1;
	(pc) =	sbr.rel .LBB2_1-.Ltmp0, $4  }
0x12: {  	s25 =	simm.s32 $0x2;
	s8 =	sadd.s32 s5, s12;
	s1 =	sshrl.u32 s30, $0x3  }
0x13: {  	s13 =	sshll.u32 s10, $0xB;
	s10 =	sadd.s32 s11, s31;
	s12 =	smax.u32 s0, $0x1  }
0x14: {  	s14 =	sshrl.u32 s14, $0x3;
	s1 =	sadd.s32 s11, s1;
	s13 =	sadd.s32 s13, s11  }
0x15: {  	s9 =	sadd.s32 $0x50, s8;
	s11 =	sadd.s32 $0x63800, s1;
	s13 =	sadd.s32 $0x1800, s13  }
.LBB2_13:
0x16: {  	_ =	swait.ge [sflag:s22], $0x4000  }
0x17: {  	[sflag:s22] =	ssyncset.done $0x0  }
0x18: {  	[sflag:s22] =	ssyncadd.s32 $0xFFFFC000  }
0x19: {  	[hbm4b:s11+s3] =	stream.linear.scatter [tilespmem:s21], [sflag:$0x3], $0x4000, $0x38;
	[tilespmem:$0x1FD80] =	vst v63  }
0x1a: {  	_ =	swait.ge [sflag:s28], $0x4000  }
0x1b: {  	[sflag:s28] =	ssyncset.done $0x0  }
0x1c: {  	s29 =	sadd.s32 $0x1, s29;
	[sflag:s28] =	ssyncadd.s32 $0xFFFFC000  }
0x1d: {  	p0 =	sne.s32 s29, s12;
	_ =	swait.ge [sflag:s25], $0x4000  }
.Ltmp1:
0x1e: {  	[sflag:s25] =	ssyncset.done $0x0;
	(pc) =	sbr.rel @!p0 .LBB2_14-.Ltmp1, $4  }
0x1f: {  	[sflag:s25] =	ssyncadd.s32 $0xFFFFC000  }
0x20: {  	_ =	swait.ge [sflag:s26], $0x4000  }
0x21: {  	[sflag:s26] =	ssyncset.done $0x0  }
0x22: {  	[sflag:s26] =	ssyncadd.s32 $0xFFFFC000  }
.LBB2_1:
0x23: {  	s0 =	rddreg [dreg:$0x5]  }
0x24: {  	s1 =	rddreg [dreg:$0x6]  }
0x25: {  	[spmem:s14], [sflag:s1] =	dma.local [hbm:s0], $0x2800  }
0x26: {  	_ =	swait.ge [sflag:s15], $0x2800  }
0x27: {  	[sflag:s15] =	ssyncset.done $0x0  }
0x28: {  	[sflag:s15] =	ssyncadd.s32 $0xFFFFD800  }
0x29: {  	[tilespmem:s16], [sflag:$0x6] =	stream.linear.gather [hbm4b:s8+s3], $0x280, $0x38;
	[tilespmem:$0x1FD80] =	vst v63  }
0x2a: {  	_ =	swait.ge [sflag:s15], $0x280  }
0x2b: {  	[sflag:s15] =	ssyncset.done $0x0  }
0x2c: {  	s17 =	simm.s32 $0x13B00;
	[sflag:s15] =	ssyncadd.s32 $0xFFFFFD80  }
0x2d: {  	[tilespmem:s17], [sflag:$0x5] =	stream.linear.gather [hbm4b:s9+s3], $0x280, $0x38;
	[tilespmem:$0x1FD80] =	vst v63  }
0x2e: {  	[bflag:$0x0] =	sbarrier.arrive $0xFFFF  }
0x2f: {  	[tilespmem:s19], [sflag:$0x1] =	stream.indirect.gather [spmem:s2], $0x80, s16, s18, $0xb8;
	[tilespmem:$0x1FD80] =	vst v63  }
0x30: {  	s20 =	simm.s32 $0x13900  }
0x31: {  	[tilespmem:s21], [sflag:$0x1] =	stream.indirect.gather [spmem:s2], $0x80, s20, s18, $0xb8;
	[tilespmem:$0x1FD80] =	vst v63  }
0x32: {  	_ =	swait.ge [sflag:s22], $0x4000  }
0x33: {  	[sflag:s22] =	ssyncset.done $0x0  }
0x34: {  	s23 =	simm.s32 $0x13980;
	[sflag:s22] =	ssyncadd.s32 $0xFFFFC000  }
0x35: {  	[hbm4b:s10+s3] =	stream.linear.scatter [tilespmem:s19], [sflag:$0x2], $0x4000, $0x38;
	[tilespmem:$0x1FD80] =	vst v63  }
0x36: {  	s30 =	smov.u32 s13;
	s31 =	simm.s32 $0x0;
	s0 =	simm.s32 $0x0  }
0x37: {  	[tilespmem:s24], [sflag:$0x1] =	stream.indirect.gather [spmem:s2], $0x80, s23, s18, $0xb8;
	[tilespmem:$0x1FD80] =	vst v63  }
.LBB2_2:
0x38: {  	s17 =	sadd.s32 $0x1, s0  }
0x39: {  	s1 =	sand.u32 $0xFF, s17  }
0x3a: {  	s1 =	smul.u32 $0xCD, s1;
	_ =	sdelay $0x1  }
0x3b: {  	s1 =	sshrl.u32 s1, $0xA  }
0x3c: {  	s20 =	smul.u32 $0x5, s1;
	_ =	sdelay $0x1  }
0x3d: {  	p0 =	seq.s32 s0, $0xC3;
	s17 =	ssub.s32 s17, s20  }
0x3e: {  	s20 =	sand.u32 @!p0 $0xFF, s17  }
0x3f: {  	p1 =	sne.s32 @!p0 s20, $0x0  }
0x40: {  	p1 =	por p0, p1  }
.Ltmp2:
0x41: {  	_ = 	snop;
	(pc) =	sbr.rel @p1 .LBB2_4-.Ltmp2, $1  }
0x42: {  	_ =	sdelay $0x3  }
0x43: {  	s1 =	sadd.s32 $0x1, s1  }
0x44: {  	s17 =	smul.u32 $0x5, s1  }
.Ltmp3:
0x45: {  	_ = 	snop;
	(pc) =	sbr.rel .LBB2_5-.Ltmp3, $4  }
0x46: {  	s1 =	sand.u32 $0x1, s1;
	s17 =	sadd.s32 s4, s17  }
0x47: {  	p1 =	seq.s32 s1, $0x1;
	s1 =	simm.s32 $0x13B00;
	s17 =	sshll.u32 s17, $0x4  }
0x48: {  	s1 =	simm.s32 @!p1 $0x13880;
	s17 =	sadd.s32 s5, s17  }
0x49: {  	[tilespmem:s1], [sflag:$0x5] =	stream.linear.gather [hbm4b:s17+s3], $0x280, $0x38;
	[tilespmem:$0x1FD80] =	vst v63  }
.LBB2_4:
0x4a: {  	s1 =	sand.u32 $0xFF, s17  }
0x4b: {  	p1 =	sne.s32 s1, $0x3  }
0x4c: {  	s1 =	simm.s32 @!p1 $0x5  }
0x4d: {  	_ =	swait.ge @!p1 [sflag:s1], $0x280  }
0x4e: {  	[sflag:s1] =	ssyncset.done @!p1 $0x0  }
0x4f: {  	[sflag:s1] =	ssyncadd.s32 @!p1 $0xFFFFFD80  }
.LBB2_5:
0x50: {  	s1 =	sadd.s32 $0x3, s0;
	_ =	swait.ge [sflag:s22], $0x4000  }
0x51: {  	[sflag:s22] =	ssyncset.done $0x0;
	s17 =	sand.u32 $0xFF, s1  }
0x52: {  	s20 =	sadd.s32 $0xFFFFF000, s30;
	[sflag:s22] =	ssyncadd.s32 $0xFFFFC000;
	s17 =	smul.u32 $0xCD, s17  }
0x53: {  	[hbm4b:s20+s3] =	stream.linear.scatter [tilespmem:s21], [sflag:$0x3], $0x4000, $0x38;
	[tilespmem:$0x1FD80] =	vst v63  }
0x54: {  	s23 =	sshrl.u32 s17, $0xB  }
0x55: {  	s20 =	smul.u32 $0xA, s23;
	s23 =	sadd.s32 $0x2, s0  }
0x56: {  	s6 =	sand.u32 $0xFF, s23  }
0x57: {  	s20 =	ssub.s32 s1, s20;
	s6 =	smul.u32 $0xCD, s6  }
0x58: {  	_ =	swait.ge [sflag:s25], $0x4000;
	s20 =	sand.u32 $0xFF, s20  }
0x59: {  	[sflag:s25] =	ssyncset.done $0x0;
	s7 =	sshll.u32 s20, $0x7;
	s20 =	sshrl.u32 s6, $0xA  }
0x5a: {  	[sflag:s25] =	ssyncadd.s32 $0xFFFFC000;
	s6 =	sadd.s32 $0x13880, s7;
	s7 =	smul.u32 $0x5, s20  }
0x5b: {  	[tilespmem:s19], [sflag:$0x1] =	stream.indirect.gather [spmem:s2], $0x80, s6, s18, $0xb8;
	[tilespmem:$0x1FD80] =	vst v63  }
0x5c: {  	s23 =	ssub.s32 s23, s7  }
0x5d: {  	s6 =	sand.u32 @!p0 $0xFF, s23  }
0x5e: {  	p1 =	sne.s32 @!p0 s6, $0x0  }
0x5f: {  	p1 =	por p0, p1  }
.Ltmp4:
0x60: {  	_ = 	snop;
	(pc) =	sbr.rel @p1 .LBB2_7-.Ltmp4, $1  }
0x61: {  	_ =	sdelay $0x3  }
0x62: {  	s6 =	sadd.s32 $0x1, s20  }
0x63: {  	s7 =	smul.u32 $0x5, s6  }
.Ltmp5:
0x64: {  	_ = 	snop;
	(pc) =	sbr.rel .LBB2_8-.Ltmp5, $4  }
0x65: {  	s6 =	sand.u32 $0x1, s6;
	s7 =	sadd.s32 s4, s7  }
0x66: {  	p1 =	seq.s32 s6, $0x1;
	s6 =	simm.s32 $0x13B00;
	s7 =	sshll.u32 s7, $0x4  }
0x67: {  	s6 =	simm.s32 @!p1 $0x13880;
	s7 =	sadd.s32 s5, s7  }
0x68: {  	[tilespmem:s6], [sflag:$0x5] =	stream.linear.gather [hbm4b:s7+s3], $0x280, $0x38;
	[tilespmem:$0x1FD80] =	vst v63  }
.LBB2_7:
0x69: {  	s6 =	sand.u32 $0xFF, s23  }
0x6a: {  	p1 =	sne.s32 s6, $0x3  }
0x6b: {  	s6 =	simm.s32 @!p1 $0x5  }
0x6c: {  	_ =	swait.ge @!p1 [sflag:s6], $0x280  }
0x6d: {  	[sflag:s6] =	ssyncset.done @!p1 $0x0  }
0x6e: {  	[sflag:s6] =	ssyncadd.s32 @!p1 $0xFFFFFD80  }
.LBB2_8:
0x6f: {  	s6 =	sadd.s32 $0x4, s0  }
0x70: {  	s7 =	sand.u32 $0xFF, s6  }
0x71: {  	s7 =	smul.u32 $0xCD, s7  }
0x72: {  	_ =	swait.ge [sflag:s22], $0x4000  }
0x73: {  	[sflag:s22] =	ssyncset.done $0x0;
	s7 =	sshrl.u32 s7, $0xB  }
0x74: {  	s20 =	sadd.s32 $0xFFFFF800, s30;
	[sflag:s22] =	ssyncadd.s32 $0xFFFFC000;
	s7 =	smul.u32 $0xA, s7  }
0x75: {  	[hbm4b:s20+s3] =	stream.linear.scatter [tilespmem:s24], [sflag:$0x4], $0x4000, $0x38;
	[tilespmem:$0x1FD80] =	vst v63  }
0x76: {  	s17 =	sshrl.u32 s17, $0xA;
	s6 =	ssub.s32 s6, s7  }
0x77: {  	s23 =	smul.u32 $0x5, s17;
	_ =	swait.ge [sflag:s26], $0x4000;
	s6 =	sand.u32 $0xFF, s6  }
0x78: {  	p1 =	sgt.u32 s31, $0x3F;
	[sflag:s26] =	ssyncset.done $0x0;
	s6 =	sshll.u32 s6, $0x7  }
0x79: {  	s20 =	ssub.s32 s1, s23;
	[sflag:s26] =	ssyncadd.s32 $0xFFFFC000;
	s6 =	sadd.s32 $0x13880, s6  }
0x7a: {  	[tilespmem:s21], [sflag:$0x1] =	stream.indirect.gather [spmem:s2], $0x80, s6, s18, $0xb8;
	[tilespmem:$0x1FD80] =	vst v63  }
0x7b: {  	s6 =	sand.u32 @!p1 $0xFF, s20  }
0x7c: {  	p2 =	sne.s32 @!p1 s6, $0x0  }
0x7d: {  	p1 =	por p1, p2  }
.Ltmp6:
0x7e: {  	_ = 	snop;
	(pc) =	sbr.rel @p1 .LBB2_10-.Ltmp6, $1  }
0x7f: {  	_ =	sdelay $0x3  }
0x80: {  	s6 =	sadd.s32 $0x1, s17  }
0x81: {  	s7 =	smul.u32 $0x5, s6  }
.Ltmp7:
0x82: {  	_ = 	snop;
	(pc) =	sbr.rel .LBB2_11-.Ltmp7, $4  }
0x83: {  	s6 =	sand.u32 $0x1, s6;
	s7 =	sadd.s32 s4, s7  }
0x84: {  	p1 =	seq.s32 s6, $0x1;
	s6 =	simm.s32 $0x13B00;
	s7 =	sshll.u32 s7, $0x4  }
0x85: {  	s6 =	simm.s32 @!p1 $0x13880;
	s7 =	sadd.s32 s5, s7  }
0x86: {  	[tilespmem:s6], [sflag:$0x5] =	stream.linear.gather [hbm4b:s7+s3], $0x280, $0x38;
	[tilespmem:$0x1FD80] =	vst v63  }
.LBB2_10:
0x87: {  	s6 =	sand.u32 @!p0 $0xFF, s20  }
0x88: {  	p1 =	sne.s32 @!p0 s6, $0x3  }
0x89: {  	p1 =	por p1, p0  }
0x8a: {  	s6 =	simm.s32 @!p1 $0x5  }
0x8b: {  	_ =	swait.ge @!p1 [sflag:s6], $0x280  }
0x8c: {  	[sflag:s6] =	ssyncset.done @!p1 $0x0  }
0x8d: {  	[sflag:s6] =	ssyncadd.s32 @!p1 $0xFFFFFD80  }
.LBB2_11:
.Ltmp8:
0x8e: {  	(pc) =	sbr.rel @p0 .LBB2_13-.Ltmp8, $4  }
0x8f: {  	_ =	swait.ge [sflag:s22], $0x4000  }
0x90: {  	[sflag:s22] =	ssyncset.done $0x0  }
0x91: {  	[sflag:s22] =	ssyncadd.s32 $0xFFFFC000  }
0x92: {  	[hbm4b:s30+s3] =	stream.linear.scatter [tilespmem:s19], [sflag:$0x2], $0x4000, $0x38;
	[tilespmem:$0x1FD80] =	vst v63  }
0x93: {  	s0 =	sadd.s32 $0x5, s0  }
0x94: {  	s6 =	sand.u32 $0xFF, s0  }
0x95: {  	s6 =	smul.u32 $0xCD, s6;
	_ =	sdelay $0x1  }
0x96: {  	s6 =	sshrl.u32 s6, $0xB  }
0x97: {  	s6 =	smul.u32 $0xA, s6;
	_ =	sdelay $0x1  }
0x98: {  	s0 =	ssub.s32 s0, s6  }
.Ltmp9:
0x99: {  	_ =	swait.ge [sflag:s28], $0x4000;
	s0 =	sand.u32 $0xFF, s0;
	(pc) =	sbr.rel .LBB2_2-.Ltmp9, $4  }
0x9a: {  	[sflag:s28] =	ssyncset.done $0x0;
	s0 =	sshll.u32 s0, $0x7  }
0x9b: {  	[sflag:s28] =	ssyncadd.s32 $0xFFFFC000;
	s0 =	sadd.s32 $0x13880, s0  }
0x9c: {  	[tilespmem:s24], [sflag:$0x1] =	stream.indirect.gather [spmem:s2], $0x80, s0, s18, $0xb8;
	[tilespmem:$0x1FD80] =	vst v63  }
0x9d: {  	s31 =	sadd.s32 $0x1, s31;
	s30 =	sadd.s32 $0x1800, s30;
	s0 =	smov.u32 s1  }
.LBB2_14:
0x9e: {  	_ =	sfence.sel $0x180000  }
0x9f: {  	[bflag:$0x0] =	sbarrier.arrive $0xFFFF  }
0xa0: {  	_ =	strace $0x90000047  }
0xa1: {  	s0 =	stileid.u32;
	[bflag:$0x2] =	sbarrier.arrive $0xFFFF  }
0xa2: {  	p0 =	sne.s32 s0, $0x0;
	s0 =	rddreg [dreg:$0x4]  }
0xa3: {  	s0 =	sadd.s32 @!p0 $0x100000, s0  }
0xa4: {  	[sflag:s0] =	ssyncadd.tile.s32 @!p0 $0x1;
	_ =	shalt  }
.Lfunc_end2:
_tile_overlayer_lowered:
.L_overlay_start_2:
0xa5: {  	(tag) =	ssettag $0x2  }
0xa6: {  	s0 =	rddreg [dreg:$0x0];
	s2 =	stileid.u32  }
0xa7: {  	s1 =	rddreg [dreg:$0x1];
	p0 =	sne.s32 s2, $0x0  }
0xa8: {  	s3 =	rddreg [dreg:$0x2];
	[bflag:$0x3] =	sbarrier.arrive $0xFFFF;
	s2 =	simm.s32 @!p0 $0x1C06  }
0xa9: {  	[timem:s3], [sflag:s2] =	dma.local @!p0 [hbm:s0], s1  }
0xaa: {  	s0 =	simm.s32 @!p0 $0x6  }
0xab: {  	_ =	swait.ge @!p0 [sflag:s0], s1  }
0xac: {  	s1 =	ssub.s32 @!p0 $0x0, s1;
	[sflag:s0] =	ssyncset.done @!p0 $0x0  }
0xad: {  	[sflag:s0] =	ssyncadd.s32 @!p0 s1  }
0xae: {  	[bflag:$0x3] =	sbarrier.arrive $0xFFFF  }
0xaf: {  	_ =	shalt  }

</sc_bundles>
